<compile_context>
chip_gen: v7x
topology: tpu7x:2x2x1
jax: 0.10.2.dev20260603
libtpu: 0.0.44.dev20260713+nightly
codegen_flags: <defaults>
</compile_context>

<pallas_src>
import functools

import jax
import jax.numpy as jnp
from jax import lax
from jax.experimental import pallas as pl
from jax.experimental.pallas import tpu as pltpu
from jax.experimental.pallas import tpu_sc as plsc

B = 16384
D_FEAT = 512
EMBED = 512

NC = 2
NS = 16
NW = NC * NS
B_PER_W = B // NW
CHUNK = 64
N_CHUNKS = B_PER_W // CHUNK

@functools.cache
def _make_sc_gather():
    mesh = plsc.VectorSubcoreMesh(core_axis_name="c", subcore_axis_name="s")

    @functools.partial(
        pl.kernel,
        out_type=(
            jax.ShapeDtypeStruct((B, D_FEAT), jnp.float32),
            jax.ShapeDtypeStruct((B, EMBED), jnp.float32),
        ),
        mesh=mesh,
        scratch_types=[
            pltpu.VMEM((N_CHUNKS, CHUNK), jnp.int32),
            pltpu.VMEM((CHUNK, D_FEAT), jnp.float32),
            pltpu.VMEM((CHUNK, EMBED), jnp.float32),
            pltpu.SemaphoreType.DMA,
            pltpu.SemaphoreType.DMA,
        ],
    )
    def _sc_gather(feat_hbm, emb_hbm, ids_hbm, g_out, l_out,
                   idx_v, rows_f, rows_e, sem_f, sem_e):
        wid = lax.axis_index("s") * NC + lax.axis_index("c")
        base = wid * B_PER_W
        pltpu.sync_copy(ids_hbm.at[wid], idx_v)
        for c in range(N_CHUNKS):
            cf = pltpu.async_copy(feat_hbm.at[idx_v.at[c]], rows_f, sem_f)
            ce = pltpu.async_copy(emb_hbm.at[idx_v.at[c]], rows_e, sem_e)
            cf.wait()
            pltpu.sync_copy(rows_f, g_out.at[pl.ds(base + c * CHUNK, CHUNK)])
            ce.wait()
            pltpu.sync_copy(rows_e, l_out.at[pl.ds(base + c * CHUNK, CHUNK)])

    return _sc_gather


BM = 512


def _tc_body(ntype_ref, g_ref, l_ref, w_ref, b_ref, o_ref):
    proj = lax.dot_general(
        g_ref[...], w_ref[...],
        dimension_numbers=(((1,), (1,)), ((), ())),
        preferred_element_type=jnp.float32,
    ) + b_ref[...]
    o_ref[...] = jnp.where(ntype_ref[...] == 0, proj, l_ref[...])


def _tc_combine(ntype2d, g, l, w, b2d):
    return pl.pallas_call(
        _tc_body,
        grid=(B // BM,),
        in_specs=[
            pl.BlockSpec((BM, 1), lambda i: (i, 0)),
            pl.BlockSpec((BM, D_FEAT), lambda i: (i, 0)),
            pl.BlockSpec((BM, EMBED), lambda i: (i, 0)),
            pl.BlockSpec((EMBED, D_FEAT), lambda i: (0, 0)),
            pl.BlockSpec((1, EMBED), lambda i: (0, 0)),
        ],
        out_specs=pl.BlockSpec((BM, EMBED), lambda i: (i, 0)),
        out_shape=jax.ShapeDtypeStruct((B, EMBED), jnp.float32),
    )(ntype2d, g, l, w, b2d)


def kernel(feat, W_proj, b_proj, emb_table, node_ids, ntype_ids):
    ids = node_ids.astype(jnp.int32).reshape(NW, N_CHUNKS, CHUNK)
    g, l = _make_sc_gather()(feat, emb_table, ids)
    ntype2d = ntype_ids.astype(jnp.int32).reshape(B, 1)
    return _tc_combine(ntype2d, g, l, W_proj, b_proj.reshape(1, EMBED))

# --- scband reference (transcript-rebuilt; emitter-appended) ---
"""Pipeline reference for scband-dist-embed-layer-68298569941202 (READ-ONLY COPY).

The authoritative reference and input builder live on the scoring server;
editing this copy changes nothing except your own understanding.
"""

import jax, jax.numpy as jnp
import numpy as np

N_NODES = 100000
D_FEAT = 512
EMBED_SIZE = 512
BATCH = 16384


def setup_inputs(seed: int = 0) -> dict:
    key = jax.random.key(seed)
    k1, k2, k3, k4, k5, k6 = jax.random.split(key, 6)
    node_ids = jax.random.randint(k1, (BATCH,), 0, N_NODES, dtype=jnp.int64 if jax.config.jax_enable_x64 else jnp.int32)
    ntype_ids = jax.random.randint(k2, (BATCH,), 0, 2, dtype=jnp.int64 if jax.config.jax_enable_x64 else jnp.int32)
    # ntype 0 ('paper') has raw features -> projected by nn.Linear(D_FEAT, EMBED_SIZE)
    feat = jax.random.normal(k3, (N_NODES, D_FEAT), dtype=jnp.float32)
    # xavier-uniform-ish init for projection weight [EMBED_SIZE, D_FEAT] (torch layout)
    limit = float(np.sqrt(6.0 / (D_FEAT + EMBED_SIZE)))
    W_proj = jax.random.uniform(k4, (EMBED_SIZE, D_FEAT), minval=-limit, maxval=limit, dtype=jnp.float32)
    b_proj = jax.random.uniform(k5, (EMBED_SIZE,), minval=-0.01, maxval=0.01, dtype=jnp.float32)
    # ntype 1 ('author') is featureless -> embedding table uniform(-1, 1)
    emb_table = jax.random.uniform(k6, (N_NODES, EMBED_SIZE), minval=-1.0, maxval=1.0, dtype=jnp.float32)
    return {"feat": feat, "W_proj": W_proj, "b_proj": b_proj, "emb_table": emb_table, "node_ids": node_ids, "ntype_ids": ntype_ids}


def reference(feat, W_proj, b_proj, emb_table, node_ids, ntype_ids):
    # Faithful to DistEmbedLayer.forward: for rows whose ntype has features,
    # embeds[loc] = Linear(feat[node_ids[loc]]); otherwise embeds[loc] = Embedding(node_ids[loc]).
    # Computed densely for both branches then selected per-row (same math at selected positions).
    gathered_feat = jnp.take(feat, node_ids, axis=0)            # [B, D_FEAT] gather
    proj = gathered_feat @ W_proj.T + b_proj                     # [B, EMBED_SIZE] compute-heavy branch
    looked_up = jnp.take(emb_table, node_ids, axis=0)           # [B, EMBED_SIZE] gather branch
    is_feat_type = (ntype_ids == 0)[:, None]
    embeds = jnp.where(is_feat_type, proj, looked_up)
    return embeds

if __name__ == "__main__":
    import jax
    _d = setup_inputs()
    print(jax.jit(kernel)(*tuple(_d.values())))

</pallas_src>

<mosaic_0001>
#map = affine_map<(d0, d1) -> (0, 0)>
#map1 = affine_map<(d0, d1) -> (0, 0, 0)>
module attributes {stable_mosaic.version = 14 : i64} {
  func.func @_sc_gather(%arg0: i32, %arg1: i32, %arg2: memref<100000x512xf32, #tpu.memory_space<hbm>>, %arg3: memref<100000x512xf32, #tpu.memory_space<hbm>>, %arg4: memref<32x8x64xi32, #tpu.memory_space<hbm>>, %arg5: memref<16384x512xf32, #tpu.memory_space<hbm>>, %arg6: memref<16384x512xf32, #tpu.memory_space<hbm>>, %arg7: memref<8x64xi32, #tpu.memory_space<vmem>>, %arg8: memref<64x512xf32, #tpu.memory_space<vmem>>, %arg9: memref<64x512xf32, #tpu.memory_space<vmem>>, %arg10: memref<!tpu.dma_semaphore, #tpu.memory_space<semaphore_mem>>, %arg11: memref<!tpu.dma_semaphore, #tpu.memory_space<semaphore_mem>>) attributes {dimension_semantics = [#tpu.dimension_semantics<core_parallel>, #tpu.dimension_semantics<subcore_parallel>], iteration_bounds = array<i64: 2, 16>, scalar_prefetch = 0 : i64, scratch_operands = 5 : i64, tpu.core_type = #tpu.core_type<sc_vector_subcore>, window_params = [{transform_indices = #map}, {transform_indices = #map}, {transform_indices = #map1}, {transform_indices = #map}, {transform_indices = #map}]} {
    %mul3A = arith.constant 2 : i32
    %mul3A_0 = arith.muli %arg1, %mul3A : i32
    %add3A = arith.addi %mul3A_0, %arg0 : i32
    %mul3A_1 = arith.constant 512 : i32
    %mul3A_2 = arith.muli %add3A, %mul3A_1 : i32
    "tpu.region"() ({
      %run_scoped3A = tpu.sem_alloc : memref<!tpu.dma_semaphore, #tpu.memory_space<semaphore_mem>>
      %dma_start3A_257 = arith.constant 0 : i32
      %dma_start3A_258 = arith.constant 0 : i32
      %dma_start3A_259 = tpu.memref_slice %arg4[%add3A, %dma_start3A_257, %dma_start3A_258] : memref<32x8x64xi32, #tpu.memory_space<hbm>> -> memref<1x8x64xi32, #tpu.memory_space<hbm>>
      %dma_start3A_260 = tpu.memref_squeeze %dma_start3A_259 : memref<1x8x64xi32, #tpu.memory_space<hbm>> -> memref<8x64xi32, #tpu.memory_space<hbm>>
      %dma_start3A_261 = arith.constant 0 : i32
      %dma_start3A_262 = arith.constant 0 : i32
      %dma_start3A_263 = tpu.memref_slice %arg4[%add3A, %dma_start3A_261, %dma_start3A_262] : memref<32x8x64xi32, #tpu.memory_space<hbm>> -> memref<1x8x64xi32, #tpu.memory_space<hbm>>
      %dma_start3A_264 = tpu.memref_squeeze %dma_start3A_263 : memref<1x8x64xi32, #tpu.memory_space<hbm>> -> memref<8x64xi32, #tpu.memory_space<hbm>>
      tpu.enqueue_dma source(%dma_start3A_264 : memref<8x64xi32, #tpu.memory_space<hbm>>) target(%arg7 : memref<8x64xi32, #tpu.memory_space<vmem>>) target_semaphore(%run_scoped3A : memref<!tpu.dma_semaphore, #tpu.memory_space<semaphore_mem>>)
      %dma_wait3A_265 = arith.constant 0 : i32
      %dma_wait3A_266 = arith.constant 0 : i32
      %dma_wait3A_267 = tpu.memref_slice %arg4[%add3A, %dma_wait3A_265, %dma_wait3A_266] : memref<32x8x64xi32, #tpu.memory_space<hbm>> -> memref<1x8x64xi32, #tpu.memory_space<hbm>>
      %dma_wait3A_268 = tpu.memref_squeeze %dma_wait3A_267 : memref<1x8x64xi32, #tpu.memory_space<hbm>> -> memref<8x64xi32, #tpu.memory_space<hbm>>
      %dma_wait3A_269 = arith.constant 0 : i32
      %dma_wait3A_270 = arith.constant 0 : i32
      %dma_wait3A_271 = tpu.memref_slice %arg4[%add3A, %dma_wait3A_269, %dma_wait3A_270] : memref<32x8x64xi32, #tpu.memory_space<hbm>> -> memref<1x8x64xi32, #tpu.memory_space<hbm>>
      %dma_wait3A_272 = tpu.memref_squeeze %dma_wait3A_271 : memref<1x8x64xi32, #tpu.memory_space<hbm>> -> memref<8x64xi32, #tpu.memory_space<hbm>>
      tpu.wait_dma2 semaphore(%run_scoped3A : memref<!tpu.dma_semaphore, #tpu.memory_space<semaphore_mem>>) src(%dma_wait3A_272 : memref<8x64xi32, #tpu.memory_space<hbm>>) dst(%arg7 : memref<8x64xi32, #tpu.memory_space<vmem>>)
      tpu.yield
    }) : () -> ()
    %dma_start3A = arith.constant 0 : i32
    %dma_start3A_3 = arith.constant 0 : i32
    %dma_start3A_4 = tpu.memref_slice %arg7[%dma_start3A, %dma_start3A_3] : memref<8x64xi32, #tpu.memory_space<vmem>> -> memref<1x64xi32, #tpu.memory_space<vmem>>
    %dma_start3A_5 = tpu.memref_squeeze %dma_start3A_4 : memref<1x64xi32, #tpu.memory_space<vmem>> -> memref<64xi32, #tpu.memory_space<vmem>>
    %dma_start3A_6 = arith.constant 0 : i32
    %dma_start3A_7 = arith.constant 0 : i32
    %dma_start3A_8 = tpu.memref_slice %arg2[%dma_start3A_6, %dma_start3A_7] : memref<100000x512xf32, #tpu.memory_space<hbm>> -> memref<100000x512xf32, #tpu.memory_space<hbm>>
    tpu.enqueue_indirect_dma source(%dma_start3A_8 : memref<100000x512xf32, #tpu.memory_space<hbm>>) target(%arg8 : memref<64x512xf32, #tpu.memory_space<vmem>>) offsets(%dma_start3A_5 : memref<64xi32, #tpu.memory_space<vmem>>) semaphore(%arg10 : memref<!tpu.dma_semaphore, #tpu.memory_space<semaphore_mem>>)
    %dma_start3A_9 = arith.constant 0 : i32
    %dma_start3A_10 = arith.constant 0 : i32
    %dma_start3A_11 = tpu.memref_slice %arg7[%dma_start3A_9, %dma_start3A_10] : memref<8x64xi32, #tpu.memory_space<vmem>> -> memref<1x64xi32, #tpu.memory_space<vmem>>
    %dma_start3A_12 = tpu.memref_squeeze %dma_start3A_11 : memref<1x64xi32, #tpu.memory_space<vmem>> -> memref<64xi32, #tpu.memory_space<vmem>>
    %dma_start3A_13 = arith.constant 0 : i32
    %dma_start3A_14 = arith.constant 0 : i32
    %dma_start3A_15 = tpu.memref_slice %arg3[%dma_start3A_13, %dma_start3A_14] : memref<100000x512xf32, #tpu.memory_space<hbm>> -> memref<100000x512xf32, #tpu.memory_space<hbm>>
    tpu.enqueue_indirect_dma source(%dma_start3A_15 : memref<100000x512xf32, #tpu.memory_space<hbm>>) target(%arg9 : memref<64x512xf32, #tpu.memory_space<vmem>>) offsets(%dma_start3A_12 : memref<64xi32, #tpu.memory_space<vmem>>) semaphore(%arg11 : memref<!tpu.dma_semaphore, #tpu.memory_space<semaphore_mem>>)
    %dma_wait3A = arith.constant 0 : i32
    %dma_wait3A_16 = arith.constant 0 : i32
    %dma_wait3A_17 = tpu.memref_slice %arg7[%dma_wait3A, %dma_wait3A_16] : memref<8x64xi32, #tpu.memory_space<vmem>> -> memref<1x64xi32, #tpu.memory_space<vmem>>
    %dma_wait3A_18 = tpu.memref_squeeze %dma_wait3A_17 : memref<1x64xi32, #tpu.memory_space<vmem>> -> memref<64xi32, #tpu.memory_space<vmem>>
    %dma_wait3A_19 = arith.constant 0 : i32
    %dma_wait3A_20 = arith.constant 0 : i32
    %dma_wait3A_21 = tpu.memref_slice %arg2[%dma_wait3A_19, %dma_wait3A_20] : memref<100000x512xf32, #tpu.memory_space<hbm>> -> memref<100000x512xf32, #tpu.memory_space<hbm>>
    tpu.wait_indirect_dma semaphore(%arg10 : memref<!tpu.dma_semaphore, #tpu.memory_space<semaphore_mem>>) src(%dma_wait3A_21 : memref<100000x512xf32, #tpu.memory_space<hbm>>) dst(%arg8 : memref<64x512xf32, #tpu.memory_space<vmem>>)
    %add3A_22 = arith.constant 0 : i32
    %add3A_23 = arith.addi %mul3A_2, %add3A_22 : i32
    "tpu.region"() ({
      %run_scoped3A = tpu.sem_alloc : memref<!tpu.dma_semaphore, #tpu.memory_space<semaphore_mem>>
      %dma_start3A_257 = arith.constant 0 : i32
      %dma_start3A_258 = tpu.memref_slice %arg5[%add3A_23, %dma_start3A_257] : memref<16384x512xf32, #tpu.memory_space<hbm>> -> memref<64x512xf32, #tpu.memory_space<hbm>>
      %dma_start3A_259 = arith.constant 0 : i32
      %dma_start3A_260 = tpu.memref_slice %arg5[%add3A_23, %dma_start3A_259] : memref<16384x512xf32, #tpu.memory_space<hbm>> -> memref<64x512xf32, #tpu.memory_space<hbm>>
      tpu.enqueue_dma source(%arg8 : memref<64x512xf32, #tpu.memory_space<vmem>>) target(%dma_start3A_260 : memref<64x512xf32, #tpu.memory_space<hbm>>) target_semaphore(%run_scoped3A : memref<!tpu.dma_semaphore, #tpu.memory_space<semaphore_mem>>)
      %dma_wait3A_261 = arith.constant 0 : i32
      %dma_wait3A_262 = tpu.memref_slice %arg5[%add3A_23, %dma_wait3A_261] : memref<16384x512xf32, #tpu.memory_space<hbm>> -> memref<64x512xf32, #tpu.memory_space<hbm>>
      %dma_wait3A_263 = arith.constant 0 : i32
      %dma_wait3A_264 = tpu.memref_slice %arg5[%add3A_23, %dma_wait3A_263] : memref<16384x512xf32, #tpu.memory_space<hbm>> -> memref<64x512xf32, #tpu.memory_space<hbm>>
      tpu.wait_dma2 semaphore(%run_scoped3A : memref<!tpu.dma_semaphore, #tpu.memory_space<semaphore_mem>>) src(%arg8 : memref<64x512xf32, #tpu.memory_space<vmem>>) dst(%dma_wait3A_264 : memref<64x512xf32, #tpu.memory_space<hbm>>)
      tpu.yield
    }) : () -> ()
    %dma_wait3A_24 = arith.constant 0 : i32
    %dma_wait3A_25 = arith.constant 0 : i32
    %dma_wait3A_26 = tpu.memref_slice %arg7[%dma_wait3A_24, %dma_wait3A_25] : memref<8x64xi32, #tpu.memory_space<vmem>> -> memref<1x64xi32, #tpu.memory_space<vmem>>
    %dma_wait3A_27 = tpu.memref_squeeze %dma_wait3A_26 : memref<1x64xi32, #tpu.memory_space<vmem>> -> memref<64xi32, #tpu.memory_space<vmem>>
    %dma_wait3A_28 = arith.constant 0 : i32
    %dma_wait3A_29 = arith.constant 0 : i32
    %dma_wait3A_30 = tpu.memref_slice %arg3[%dma_wait3A_28, %dma_wait3A_29] : memref<100000x512xf32, #tpu.memory_space<hbm>> -> memref<100000x512xf32, #tpu.memory_space<hbm>>
    tpu.wait_indirect_dma semaphore(%arg11 : memref<!tpu.dma_semaphore, #tpu.memory_space<semaphore_mem>>) src(%dma_wait3A_30 : memref<100000x512xf32, #tpu.memory_space<hbm>>) dst(%arg9 : memref<64x512xf32, #tpu.memory_space<vmem>>)
    %add3A_31 = arith.constant 0 : i32
    %add3A_32 = arith.addi %mul3A_2, %add3A_31 : i32
    "tpu.region"() ({
      %run_scoped3A = tpu.sem_alloc : memref<!tpu.dma_semaphore, #tpu.memory_space<semaphore_mem>>
      %dma_start3A_257 = arith.constant 0 : i32
      %dma_start3A_258 = tpu.memref_slice %arg6[%add3A_32, %dma_start3A_257] : memref<16384x512xf32, #tpu.memory_space<hbm>> -> memref<64x512xf32, #tpu.memory_space<hbm>>
      %dma_start3A_259 = arith.constant 0 : i32
      %dma_start3A_260 = tpu.memref_slice %arg6[%add3A_32, %dma_start3A_259] : memref<16384x512xf32, #tpu.memory_space<hbm>> -> memref<64x512xf32, #tpu.memory_space<hbm>>
      tpu.enqueue_dma source(%arg9 : memref<64x512xf32, #tpu.memory_space<vmem>>) target(%dma_start3A_260 : memref<64x512xf32, #tpu.memory_space<hbm>>) target_semaphore(%run_scoped3A : memref<!tpu.dma_semaphore, #tpu.memory_space<semaphore_mem>>)
      %dma_wait3A_261 = arith.constant 0 : i32
      %dma_wait3A_262 = tpu.memref_slice %arg6[%add3A_32, %dma_wait3A_261] : memref<16384x512xf32, #tpu.memory_space<hbm>> -> memref<64x512xf32, #tpu.memory_space<hbm>>
      %dma_wait3A_263 = arith.constant 0 : i32
      %dma_wait3A_264 = tpu.memref_slice %arg6[%add3A_32, %dma_wait3A_263] : memref<16384x512xf32, #tpu.memory_space<hbm>> -> memref<64x512xf32, #tpu.memory_space<hbm>>
      tpu.wait_dma2 semaphore(%run_scoped3A : memref<!tpu.dma_semaphore, #tpu.memory_space<semaphore_mem>>) src(%arg9 : memref<64x512xf32, #tpu.memory_space<vmem>>) dst(%dma_wait3A_264 : memref<64x512xf32, #tpu.memory_space<hbm>>)
      tpu.yield
    }) : () -> ()
    %dma_start3A_33 = arith.constant 1 : i32
    %dma_start3A_34 = arith.constant 0 : i32
    %dma_start3A_35 = tpu.memref_slice %arg7[%dma_start3A_33, %dma_start3A_34] : memref<8x64xi32, #tpu.memory_space<vmem>> -> memref<1x64xi32, #tpu.memory_space<vmem>>
    %dma_start3A_36 = tpu.memref_squeeze %dma_start3A_35 : memref<1x64xi32, #tpu.memory_space<vmem>> -> memref<64xi32, #tpu.memory_space<vmem>>
    %dma_start3A_37 = arith.constant 0 : i32
    %dma_start3A_38 = arith.constant 0 : i32
    %dma_start3A_39 = tpu.memref_slice %arg2[%dma_start3A_37, %dma_start3A_38] : memref<100000x512xf32, #tpu.memory_space<hbm>> -> memref<100000x512xf32, #tpu.memory_space<hbm>>
    tpu.enqueue_indirect_dma source(%dma_start3A_39 : memref<100000x512xf32, #tpu.memory_space<hbm>>) target(%arg8 : memref<64x512xf32, #tpu.memory_space<vmem>>) offsets(%dma_start3A_36 : memref<64xi32, #tpu.memory_space<vmem>>) semaphore(%arg10 : memref<!tpu.dma_semaphore, #tpu.memory_space<semaphore_mem>>)
    %dma_start3A_40 = arith.constant 1 : i32
    %dma_start3A_41 = arith.constant 0 : i32
    %dma_start3A_42 = tpu.memref_slice %arg7[%dma_start3A_40, %dma_start3A_41] : memref<8x64xi32, #tpu.memory_space<vmem>> -> memref<1x64xi32, #tpu.memory_space<vmem>>
    %dma_start3A_43 = tpu.memref_squeeze %dma_start3A_42 : memref<1x64xi32, #tpu.memory_space<vmem>> -> memref<64xi32, #tpu.memory_space<vmem>>
    %dma_start3A_44 = arith.constant 0 : i32
    %dma_start3A_45 = arith.constant 0 : i32
    %dma_start3A_46 = tpu.memref_slice %arg3[%dma_start3A_44, %dma_start3A_45] : memref<100000x512xf32, #tpu.memory_space<hbm>> -> memref<100000x512xf32, #tpu.memory_space<hbm>>
    tpu.enqueue_indirect_dma source(%dma_start3A_46 : memref<100000x512xf32, #tpu.memory_space<hbm>>) target(%arg9 : memref<64x512xf32, #tpu.memory_space<vmem>>) offsets(%dma_start3A_43 : memref<64xi32, #tpu.memory_space<vmem>>) semaphore(%arg11 : memref<!tpu.dma_semaphore, #tpu.memory_space<semaphore_mem>>)
    %dma_wait3A_47 = arith.constant 1 : i32
    %dma_wait3A_48 = arith.constant 0 : i32
    %dma_wait3A_49 = tpu.memref_slice %arg7[%dma_wait3A_47, %dma_wait3A_48] : memref<8x64xi32, #tpu.memory_space<vmem>> -> memref<1x64xi32, #tpu.memory_space<vmem>>
    %dma_wait3A_50 = tpu.memref_squeeze %dma_wait3A_49 : memref<1x64xi32, #tpu.memory_space<vmem>> -> memref<64xi32, #tpu.memory_space<vmem>>
    %dma_wait3A_51 = arith.constant 0 : i32
    %dma_wait3A_52 = arith.constant 0 : i32
    %dma_wait3A_53 = tpu.memref_slice %arg2[%dma_wait3A_51, %dma_wait3A_52] : memref<100000x512xf32, #tpu.memory_space<hbm>> -> memref<100000x512xf32, #tpu.memory_space<hbm>>
    tpu.wait_indirect_dma semaphore(%arg10 : memref<!tpu.dma_semaphore, #tpu.memory_space<semaphore_mem>>) src(%dma_wait3A_53 : memref<100000x512xf32, #tpu.memory_space<hbm>>) dst(%arg8 : memref<64x512xf32, #tpu.memory_space<vmem>>)
    %add3A_54 = arith.constant 64 : i32
    %add3A_55 = arith.addi %mul3A_2, %add3A_54 : i32
    "tpu.region"() ({
      %run_scoped3A = tpu.sem_alloc : memref<!tpu.dma_semaphore, #tpu.memory_space<semaphore_mem>>
      %dma_start3A_257 = arith.constant 0 : i32
      %dma_start3A_258 = tpu.memref_slice %arg5[%add3A_55, %dma_start3A_257] : memref<16384x512xf32, #tpu.memory_space<hbm>> -> memref<64x512xf32, #tpu.memory_space<hbm>>
      %dma_start3A_259 = arith.constant 0 : i32
      %dma_start3A_260 = tpu.memref_slice %arg5[%add3A_55, %dma_start3A_259] : memref<16384x512xf32, #tpu.memory_space<hbm>> -> memref<64x512xf32, #tpu.memory_space<hbm>>
      tpu.enqueue_dma source(%arg8 : memref<64x512xf32, #tpu.memory_space<vmem>>) target(%dma_start3A_260 : memref<64x512xf32, #tpu.memory_space<hbm>>) target_semaphore(%run_scoped3A : memref<!tpu.dma_semaphore, #tpu.memory_space<semaphore_mem>>)
      %dma_wait3A_261 = arith.constant 0 : i32
      %dma_wait3A_262 = tpu.memref_slice %arg5[%add3A_55, %dma_wait3A_261] : memref<16384x512xf32, #tpu.memory_space<hbm>> -> memref<64x512xf32, #tpu.memory_space<hbm>>
      %dma_wait3A_263 = arith.constant 0 : i32
      %dma_wait3A_264 = tpu.memref_slice %arg5[%add3A_55, %dma_wait3A_263] : memref<16384x512xf32, #tpu.memory_space<hbm>> -> memref<64x512xf32, #tpu.memory_space<hbm>>
      tpu.wait_dma2 semaphore(%run_scoped3A : memref<!tpu.dma_semaphore, #tpu.memory_space<semaphore_mem>>) src(%arg8 : memref<64x512xf32, #tpu.memory_space<vmem>>) dst(%dma_wait3A_264 : memref<64x512xf32, #tpu.memory_space<hbm>>)
      tpu.yield
    }) : () -> ()
    %dma_wait3A_56 = arith.constant 1 : i32
    %dma_wait3A_57 = arith.constant 0 : i32
    %dma_wait3A_58 = tpu.memref_slice %arg7[%dma_wait3A_56, %dma_wait3A_57] : memref<8x64xi32, #tpu.memory_space<vmem>> -> memref<1x64xi32, #tpu.memory_space<vmem>>
    %dma_wait3A_59 = tpu.memref_squeeze %dma_wait3A_58 : memref<1x64xi32, #tpu.memory_space<vmem>> -> memref<64xi32, #tpu.memory_space<vmem>>
    %dma_wait3A_60 = arith.constant 0 : i32
    %dma_wait3A_61 = arith.constant 0 : i32
    %dma_wait3A_62 = tpu.memref_slice %arg3[%dma_wait3A_60, %dma_wait3A_61] : memref<100000x512xf32, #tpu.memory_space<hbm>> -> memref<100000x512xf32, #tpu.memory_space<hbm>>
    tpu.wait_indirect_dma semaphore(%arg11 : memref<!tpu.dma_semaphore, #tpu.memory_space<semaphore_mem>>) src(%dma_wait3A_62 : memref<100000x512xf32, #tpu.memory_space<hbm>>) dst(%arg9 : memref<64x512xf32, #tpu.memory_space<vmem>>)
    %add3A_63 = arith.constant 64 : i32
    %add3A_64 = arith.addi %mul3A_2, %add3A_63 : i32
    "tpu.region"() ({
      %run_scoped3A = tpu.sem_alloc : memref<!tpu.dma_semaphore, #tpu.memory_space<semaphore_mem>>
      %dma_start3A_257 = arith.constant 0 : i32
      %dma_start3A_258 = tpu.memref_slice %arg6[%add3A_64, %dma_start3A_257] : memref<16384x512xf32, #tpu.memory_space<hbm>> -> memref<64x512xf32, #tpu.memory_space<hbm>>
      %dma_start3A_259 = arith.constant 0 : i32
      %dma_start3A_260 = tpu.memref_slice %arg6[%add3A_64, %dma_start3A_259] : memref<16384x512xf32, #tpu.memory_space<hbm>> -> memref<64x512xf32, #tpu.memory_space<hbm>>
      tpu.enqueue_dma source(%arg9 : memref<64x512xf32, #tpu.memory_space<vmem>>) target(%dma_start3A_260 : memref<64x512xf32, #tpu.memory_space<hbm>>) target_semaphore(%run_scoped3A : memref<!tpu.dma_semaphore, #tpu.memory_space<semaphore_mem>>)
      %dma_wait3A_261 = arith.constant 0 : i32
      %dma_wait3A_262 = tpu.memref_slice %arg6[%add3A_64, %dma_wait3A_261] : memref<16384x512xf32, #tpu.memory_space<hbm>> -> memref<64x512xf32, #tpu.memory_space<hbm>>
      %dma_wait3A_263 = arith.constant 0 : i32
      %dma_wait3A_264 = tpu.memref_slice %arg6[%add3A_64, %dma_wait3A_263] : memref<16384x512xf32, #tpu.memory_space<hbm>> -> memref<64x512xf32, #tpu.memory_space<hbm>>
      tpu.wait_dma2 semaphore(%run_scoped3A : memref<!tpu.dma_semaphore, #tpu.memory_space<semaphore_mem>>) src(%arg9 : memref<64x512xf32, #tpu.memory_space<vmem>>) dst(%dma_wait3A_264 : memref<64x512xf32, #tpu.memory_space<hbm>>)
      tpu.yield
    }) : () -> ()
    %dma_start3A_65 = arith.constant 2 : i32
    %dma_start3A_66 = arith.constant 0 : i32
    %dma_start3A_67 = tpu.memref_slice %arg7[%dma_start3A_65, %dma_start3A_66] : memref<8x64xi32, #tpu.memory_space<vmem>> -> memref<1x64xi32, #tpu.memory_space<vmem>>
    %dma_start3A_68 = tpu.memref_squeeze %dma_start3A_67 : memref<1x64xi32, #tpu.memory_space<vmem>> -> memref<64xi32, #tpu.memory_space<vmem>>
    %dma_start3A_69 = arith.constant 0 : i32
    %dma_start3A_70 = arith.constant 0 : i32
    %dma_start3A_71 = tpu.memref_slice %arg2[%dma_start3A_69, %dma_start3A_70] : memref<100000x512xf32, #tpu.memory_space<hbm>> -> memref<100000x512xf32, #tpu.memory_space<hbm>>
    tpu.enqueue_indirect_dma source(%dma_start3A_71 : memref<100000x512xf32, #tpu.memory_space<hbm>>) target(%arg8 : memref<64x512xf32, #tpu.memory_space<vmem>>) offsets(%dma_start3A_68 : memref<64xi32, #tpu.memory_space<vmem>>) semaphore(%arg10 : memref<!tpu.dma_semaphore, #tpu.memory_space<semaphore_mem>>)
    %dma_start3A_72 = arith.constant 2 : i32
    %dma_start3A_73 = arith.constant 0 : i32
    %dma_start3A_74 = tpu.memref_slice %arg7[%dma_start3A_72, %dma_start3A_73] : memref<8x64xi32, #tpu.memory_space<vmem>> -> memref<1x64xi32, #tpu.memory_space<vmem>>
    %dma_start3A_75 = tpu.memref_squeeze %dma_start3A_74 : memref<1x64xi32, #tpu.memory_space<vmem>> -> memref<64xi32, #tpu.memory_space<vmem>>
    %dma_start3A_76 = arith.constant 0 : i32
    %dma_start3A_77 = arith.constant 0 : i32
    %dma_start3A_78 = tpu.memref_slice %arg3[%dma_start3A_76, %dma_start3A_77] : memref<100000x512xf32, #tpu.memory_space<hbm>> -> memref<100000x512xf32, #tpu.memory_space<hbm>>
    tpu.enqueue_indirect_dma source(%dma_start3A_78 : memref<100000x512xf32, #tpu.memory_space<hbm>>) target(%arg9 : memref<64x512xf32, #tpu.memory_space<vmem>>) offsets(%dma_start3A_75 : memref<64xi32, #tpu.memory_space<vmem>>) semaphore(%arg11 : memref<!tpu.dma_semaphore, #tpu.memory_space<semaphore_mem>>)
    %dma_wait3A_79 = arith.constant 2 : i32
    %dma_wait3A_80 = arith.constant 0 : i32
    %dma_wait3A_81 = tpu.memref_slice %arg7[%dma_wait3A_79, %dma_wait3A_80] : memref<8x64xi32, #tpu.memory_space<vmem>> -> memref<1x64xi32, #tpu.memory_space<vmem>>
    %dma_wait3A_82 = tpu.memref_squeeze %dma_wait3A_81 : memref<1x64xi32, #tpu.memory_space<vmem>> -> memref<64xi32, #tpu.memory_space<vmem>>
    %dma_wait3A_83 = arith.constant 0 : i32
    %dma_wait3A_84 = arith.constant 0 : i32
    %dma_wait3A_85 = tpu.memref_slice %arg2[%dma_wait3A_83, %dma_wait3A_84] : memref<100000x512xf32, #tpu.memory_space<hbm>> -> memref<100000x512xf32, #tpu.memory_space<hbm>>
    tpu.wait_indirect_dma semaphore(%arg10 : memref<!tpu.dma_semaphore, #tpu.memory_space<semaphore_mem>>) src(%dma_wait3A_85 : memref<100000x512xf32, #tpu.memory_space<hbm>>) dst(%arg8 : memref<64x512xf32, #tpu.memory_space<vmem>>)
    %add3A_86 = arith.constant 128 : i32
    %add3A_87 = arith.addi %mul3A_2, %add3A_86 : i32
    "tpu.region"() ({
      %run_scoped3A = tpu.sem_alloc : memref<!tpu.dma_semaphore, #tpu.memory_space<semaphore_mem>>
      %dma_start3A_257 = arith.constant 0 : i32
      %dma_start3A_258 = tpu.memref_slice %arg5[%add3A_87, %dma_start3A_257] : memref<16384x512xf32, #tpu.memory_space<hbm>> -> memref<64x512xf32, #tpu.memory_space<hbm>>
      %dma_start3A_259 = arith.constant 0 : i32
      %dma_start3A_260 = tpu.memref_slice %arg5[%add3A_87, %dma_start3A_259] : memref<16384x512xf32, #tpu.memory_space<hbm>> -> memref<64x512xf32, #tpu.memory_space<hbm>>
      tpu.enqueue_dma source(%arg8 : memref<64x512xf32, #tpu.memory_space<vmem>>) target(%dma_start3A_260 : memref<64x512xf32, #tpu.memory_space<hbm>>) target_semaphore(%run_scoped3A : memref<!tpu.dma_semaphore, #tpu.memory_space<semaphore_mem>>)
      %dma_wait3A_261 = arith.constant 0 : i32
      %dma_wait3A_262 = tpu.memref_slice %arg5[%add3A_87, %dma_wait3A_261] : memref<16384x512xf32, #tpu.memory_space<hbm>> -> memref<64x512xf32, #tpu.memory_space<hbm>>
      %dma_wait3A_263 = arith.constant 0 : i32
      %dma_wait3A_264 = tpu.memref_slice %arg5[%add3A_87, %dma_wait3A_263] : memref<16384x512xf32, #tpu.memory_space<hbm>> -> memref<64x512xf32, #tpu.memory_space<hbm>>
      tpu.wait_dma2 semaphore(%run_scoped3A : memref<!tpu.dma_semaphore, #tpu.memory_space<semaphore_mem>>) src(%arg8 : memref<64x512xf32, #tpu.memory_space<vmem>>) dst(%dma_wait3A_264 : memref<64x512xf32, #tpu.memory_space<hbm>>)
      tpu.yield
    }) : () -> ()
    %dma_wait3A_88 = arith.constant 2 : i32
    %dma_wait3A_89 = arith.constant 0 : i32
    %dma_wait3A_90 = tpu.memref_slice %arg7[%dma_wait3A_88, %dma_wait3A_89] : memref<8x64xi32, #tpu.memory_space<vmem>> -> memref<1x64xi32, #tpu.memory_space<vmem>>
    %dma_wait3A_91 = tpu.memref_squeeze %dma_wait3A_90 : memref<1x64xi32, #tpu.memory_space<vmem>> -> memref<64xi32, #tpu.memory_space<vmem>>
    %dma_wait3A_92 = arith.constant 0 : i32
    %dma_wait3A_93 = arith.constant 0 : i32
    %dma_wait3A_94 = tpu.memref_slice %arg3[%dma_wait3A_92, %dma_wait3A_93] : memref<100000x512xf32, #tpu.memory_space<hbm>> -> memref<100000x512xf32, #tpu.memory_space<hbm>>
    tpu.wait_indirect_dma semaphore(%arg11 : memref<!tpu.dma_semaphore, #tpu.memory_space<semaphore_mem>>) src(%dma_wait3A_94 : memref<100000x512xf32, #tpu.memory_space<hbm>>) dst(%arg9 : memref<64x512xf32, #tpu.memory_space<vmem>>)
    %add3A_95 = arith.constant 128 : i32
    %add3A_96 = arith.addi %mul3A_2, %add3A_95 : i32
    "tpu.region"() ({
      %run_scoped3A = tpu.sem_alloc : memref<!tpu.dma_semaphore, #tpu.memory_space<semaphore_mem>>
      %dma_start3A_257 = arith.constant 0 : i32
      %dma_start3A_258 = tpu.memref_slice %arg6[%add3A_96, %dma_start3A_257] : memref<16384x512xf32, #tpu.memory_space<hbm>> -> memref<64x512xf32, #tpu.memory_space<hbm>>
      %dma_start3A_259 = arith.constant 0 : i32
      %dma_start3A_260 = tpu.memref_slice %arg6[%add3A_96, %dma_start3A_259] : memref<16384x512xf32, #tpu.memory_space<hbm>> -> memref<64x512xf32, #tpu.memory_space<hbm>>
      tpu.enqueue_dma source(%arg9 : memref<64x512xf32, #tpu.memory_space<vmem>>) target(%dma_start3A_260 : memref<64x512xf32, #tpu.memory_space<hbm>>) target_semaphore(%run_scoped3A : memref<!tpu.dma_semaphore, #tpu.memory_space<semaphore_mem>>)
      %dma_wait3A_261 = arith.constant 0 : i32
      %dma_wait3A_262 = tpu.memref_slice %arg6[%add3A_96, %dma_wait3A_261] : memref<16384x512xf32, #tpu.memory_space<hbm>> -> memref<64x512xf32, #tpu.memory_space<hbm>>
      %dma_wait3A_263 = arith.constant 0 : i32
      %dma_wait3A_264 = tpu.memref_slice %arg6[%add3A_96, %dma_wait3A_263] : memref<16384x512xf32, #tpu.memory_space<hbm>> -> memref<64x512xf32, #tpu.memory_space<hbm>>
      tpu.wait_dma2 semaphore(%run_scoped3A : memref<!tpu.dma_semaphore, #tpu.memory_space<semaphore_mem>>) src(%arg9 : memref<64x512xf32, #tpu.memory_space<vmem>>) dst(%dma_wait3A_264 : memref<64x512xf32, #tpu.memory_space<hbm>>)
      tpu.yield
    }) : () -> ()
    %dma_start3A_97 = arith.constant 3 : i32
    %dma_start3A_98 = arith.constant 0 : i32
    %dma_start3A_99 = tpu.memref_slice %arg7[%dma_start3A_97, %dma_start3A_98] : memref<8x64xi32, #tpu.memory_space<vmem>> -> memref<1x64xi32, #tpu.memory_space<vmem>>
    %dma_start3A_100 = tpu.memref_squeeze %dma_start3A_99 : memref<1x64xi32, #tpu.memory_space<vmem>> -> memref<64xi32, #tpu.memory_space<vmem>>
    %dma_start3A_101 = arith.constant 0 : i32
    %dma_start3A_102 = arith.constant 0 : i32
    %dma_start3A_103 = tpu.memref_slice %arg2[%dma_start3A_101, %dma_start3A_102] : memref<100000x512xf32, #tpu.memory_space<hbm>> -> memref<100000x512xf32, #tpu.memory_space<hbm>>
    tpu.enqueue_indirect_dma source(%dma_start3A_103 : memref<100000x512xf32, #tpu.memory_space<hbm>>) target(%arg8 : memref<64x512xf32, #tpu.memory_space<vmem>>) offsets(%dma_start3A_100 : memref<64xi32, #tpu.memory_space<vmem>>) semaphore(%arg10 : memref<!tpu.dma_semaphore, #tpu.memory_space<semaphore_mem>>)
    %dma_start3A_104 = arith.constant 3 : i32
    %dma_start3A_105 = arith.constant 0 : i32
    %dma_start3A_106 = tpu.memref_slice %arg7[%dma_start3A_104, %dma_start3A_105] : memref<8x64xi32, #tpu.memory_space<vmem>> -> memref<1x64xi32, #tpu.memory_space<vmem>>
    %dma_start3A_107 = tpu.memref_squeeze %dma_start3A_106 : memref<1x64xi32, #tpu.memory_space<vmem>> -> memref<64xi32, #tpu.memory_space<vmem>>
    %dma_start3A_108 = arith.constant 0 : i32
    %dma_start3A_109 = arith.constant 0 : i32
    %dma_start3A_110 = tpu.memref_slice %arg3[%dma_start3A_108, %dma_start3A_109] : memref<100000x512xf32, #tpu.memory_space<hbm>> -> memref<100000x512xf32, #tpu.memory_space<hbm>>
    tpu.enqueue_indirect_dma source(%dma_start3A_110 : memref<100000x512xf32, #tpu.memory_space<hbm>>) target(%arg9 : memref<64x512xf32, #tpu.memory_space<vmem>>) offsets(%dma_start3A_107 : memref<64xi32, #tpu.memory_space<vmem>>) semaphore(%arg11 : memref<!tpu.dma_semaphore, #tpu.memory_space<semaphore_mem>>)
    %dma_wait3A_111 = arith.constant 3 : i32
    %dma_wait3A_112 = arith.constant 0 : i32
    %dma_wait3A_113 = tpu.memref_slice %arg7[%dma_wait3A_111, %dma_wait3A_112] : memref<8x64xi32, #tpu.memory_space<vmem>> -> memref<1x64xi32, #tpu.memory_space<vmem>>
    %dma_wait3A_114 = tpu.memref_squeeze %dma_wait3A_113 : memref<1x64xi32, #tpu.memory_space<vmem>> -> memref<64xi32, #tpu.memory_space<vmem>>
    %dma_wait3A_115 = arith.constant 0 : i32
    %dma_wait3A_116 = arith.constant 0 : i32
    %dma_wait3A_117 = tpu.memref_slice %arg2[%dma_wait3A_115, %dma_wait3A_116] : memref<100000x512xf32, #tpu.memory_space<hbm>> -> memref<100000x512xf32, #tpu.memory_space<hbm>>
    tpu.wait_indirect_dma semaphore(%arg10 : memref<!tpu.dma_semaphore, #tpu.memory_space<semaphore_mem>>) src(%dma_wait3A_117 : memref<100000x512xf32, #tpu.memory_space<hbm>>) dst(%arg8 : memref<64x512xf32, #tpu.memory_space<vmem>>)
    %add3A_118 = arith.constant 192 : i32
    %add3A_119 = arith.addi %mul3A_2, %add3A_118 : i32
    "tpu.region"() ({
      %run_scoped3A = tpu.sem_alloc : memref<!tpu.dma_semaphore, #tpu.memory_space<semaphore_mem>>
      %dma_start3A_257 = arith.constant 0 : i32
      %dma_start3A_258 = tpu.memref_slice %arg5[%add3A_119, %dma_start3A_257] : memref<16384x512xf32, #tpu.memory_space<hbm>> -> memref<64x512xf32, #tpu.memory_space<hbm>>
      %dma_start3A_259 = arith.constant 0 : i32
      %dma_start3A_260 = tpu.memref_slice %arg5[%add3A_119, %dma_start3A_259] : memref<16384x512xf32, #tpu.memory_space<hbm>> -> memref<64x512xf32, #tpu.memory_space<hbm>>
      tpu.enqueue_dma source(%arg8 : memref<64x512xf32, #tpu.memory_space<vmem>>) target(%dma_start3A_260 : memref<64x512xf32, #tpu.memory_space<hbm>>) target_semaphore(%run_scoped3A : memref<!tpu.dma_semaphore, #tpu.memory_space<semaphore_mem>>)
      %dma_wait3A_261 = arith.constant 0 : i32
      %dma_wait3A_262 = tpu.memref_slice %arg5[%add3A_119, %dma_wait3A_261] : memref<16384x512xf32, #tpu.memory_space<hbm>> -> memref<64x512xf32, #tpu.memory_space<hbm>>
      %dma_wait3A_263 = arith.constant 0 : i32
      %dma_wait3A_264 = tpu.memref_slice %arg5[%add3A_119, %dma_wait3A_263] : memref<16384x512xf32, #tpu.memory_space<hbm>> -> memref<64x512xf32, #tpu.memory_space<hbm>>
      tpu.wait_dma2 semaphore(%run_scoped3A : memref<!tpu.dma_semaphore, #tpu.memory_space<semaphore_mem>>) src(%arg8 : memref<64x512xf32, #tpu.memory_space<vmem>>) dst(%dma_wait3A_264 : memref<64x512xf32, #tpu.memory_space<hbm>>)
      tpu.yield
    }) : () -> ()
    %dma_wait3A_120 = arith.constant 3 : i32
    %dma_wait3A_121 = arith.constant 0 : i32
    %dma_wait3A_122 = tpu.memref_slice %arg7[%dma_wait3A_120, %dma_wait3A_121] : memref<8x64xi32, #tpu.memory_space<vmem>> -> memref<1x64xi32, #tpu.memory_space<vmem>>
    %dma_wait3A_123 = tpu.memref_squeeze %dma_wait3A_122 : memref<1x64xi32, #tpu.memory_space<vmem>> -> memref<64xi32, #tpu.memory_space<vmem>>
    %dma_wait3A_124 = arith.constant 0 : i32
    %dma_wait3A_125 = arith.constant 0 : i32
    %dma_wait3A_126 = tpu.memref_slice %arg3[%dma_wait3A_124, %dma_wait3A_125] : memref<100000x512xf32, #tpu.memory_space<hbm>> -> memref<100000x512xf32, #tpu.memory_space<hbm>>
    tpu.wait_indirect_dma semaphore(%arg11 : memref<!tpu.dma_semaphore, #tpu.memory_space<semaphore_mem>>) src(%dma_wait3A_126 : memref<100000x512xf32, #tpu.memory_space<hbm>>) dst(%arg9 : memref<64x512xf32, #tpu.memory_space<vmem>>)
    %add3A_127 = arith.constant 192 : i32
    %add3A_128 = arith.addi %mul3A_2, %add3A_127 : i32
    "tpu.region"() ({
      %run_scoped3A = tpu.sem_alloc : memref<!tpu.dma_semaphore, #tpu.memory_space<semaphore_mem>>
      %dma_start3A_257 = arith.constant 0 : i32
      %dma_start3A_258 = tpu.memref_slice %arg6[%add3A_128, %dma_start3A_257] : memref<16384x512xf32, #tpu.memory_space<hbm>> -> memref<64x512xf32, #tpu.memory_space<hbm>>
      %dma_start3A_259 = arith.constant 0 : i32
      %dma_start3A_260 = tpu.memref_slice %arg6[%add3A_128, %dma_start3A_259] : memref<16384x512xf32, #tpu.memory_space<hbm>> -> memref<64x512xf32, #tpu.memory_space<hbm>>
      tpu.enqueue_dma source(%arg9 : memref<64x512xf32, #tpu.memory_space<vmem>>) target(%dma_start3A_260 : memref<64x512xf32, #tpu.memory_space<hbm>>) target_semaphore(%run_scoped3A : memref<!tpu.dma_semaphore, #tpu.memory_space<semaphore_mem>>)
      %dma_wait3A_261 = arith.constant 0 : i32
      %dma_wait3A_262 = tpu.memref_slice %arg6[%add3A_128, %dma_wait3A_261] : memref<16384x512xf32, #tpu.memory_space<hbm>> -> memref<64x512xf32, #tpu.memory_space<hbm>>
      %dma_wait3A_263 = arith.constant 0 : i32
      %dma_wait3A_264 = tpu.memref_slice %arg6[%add3A_128, %dma_wait3A_263] : memref<16384x512xf32, #tpu.memory_space<hbm>> -> memref<64x512xf32, #tpu.memory_space<hbm>>
      tpu.wait_dma2 semaphore(%run_scoped3A : memref<!tpu.dma_semaphore, #tpu.memory_space<semaphore_mem>>) src(%arg9 : memref<64x512xf32, #tpu.memory_space<vmem>>) dst(%dma_wait3A_264 : memref<64x512xf32, #tpu.memory_space<hbm>>)
      tpu.yield
    }) : () -> ()
    %dma_start3A_129 = arith.constant 4 : i32
    %dma_start3A_130 = arith.constant 0 : i32
    %dma_start3A_131 = tpu.memref_slice %arg7[%dma_start3A_129, %dma_start3A_130] : memref<8x64xi32, #tpu.memory_space<vmem>> -> memref<1x64xi32, #tpu.memory_space<vmem>>
    %dma_start3A_132 = tpu.memref_squeeze %dma_start3A_131 : memref<1x64xi32, #tpu.memory_space<vmem>> -> memref<64xi32, #tpu.memory_space<vmem>>
    %dma_start3A_133 = arith.constant 0 : i32
    %dma_start3A_134 = arith.constant 0 : i32
    %dma_start3A_135 = tpu.memref_slice %arg2[%dma_start3A_133, %dma_start3A_134] : memref<100000x512xf32, #tpu.memory_space<hbm>> -> memref<100000x512xf32, #tpu.memory_space<hbm>>
    tpu.enqueue_indirect_dma source(%dma_start3A_135 : memref<100000x512xf32, #tpu.memory_space<hbm>>) target(%arg8 : memref<64x512xf32, #tpu.memory_space<vmem>>) offsets(%dma_start3A_132 : memref<64xi32, #tpu.memory_space<vmem>>) semaphore(%arg10 : memref<!tpu.dma_semaphore, #tpu.memory_space<semaphore_mem>>)
    %dma_start3A_136 = arith.constant 4 : i32
    %dma_start3A_137 = arith.constant 0 : i32
    %dma_start3A_138 = tpu.memref_slice %arg7[%dma_start3A_136, %dma_start3A_137] : memref<8x64xi32, #tpu.memory_space<vmem>> -> memref<1x64xi32, #tpu.memory_space<vmem>>
    %dma_start3A_139 = tpu.memref_squeeze %dma_start3A_138 : memref<1x64xi32, #tpu.memory_space<vmem>> -> memref<64xi32, #tpu.memory_space<vmem>>
    %dma_start3A_140 = arith.constant 0 : i32
    %dma_start3A_141 = arith.constant 0 : i32
    %dma_start3A_142 = tpu.memref_slice %arg3[%dma_start3A_140, %dma_start3A_141] : memref<100000x512xf32, #tpu.memory_space<hbm>> -> memref<100000x512xf32, #tpu.memory_space<hbm>>
    tpu.enqueue_indirect_dma source(%dma_start3A_142 : memref<100000x512xf32, #tpu.memory_space<hbm>>) target(%arg9 : memref<64x512xf32, #tpu.memory_space<vmem>>) offsets(%dma_start3A_139 : memref<64xi32, #tpu.memory_space<vmem>>) semaphore(%arg11 : memref<!tpu.dma_semaphore, #tpu.memory_space<semaphore_mem>>)
    %dma_wait3A_143 = arith.constant 4 : i32
    %dma_wait3A_144 = arith.constant 0 : i32
    %dma_wait3A_145 = tpu.memref_slice %arg7[%dma_wait3A_143, %dma_wait3A_144] : memref<8x64xi32, #tpu.memory_space<vmem>> -> memref<1x64xi32, #tpu.memory_space<vmem>>
    %dma_wait3A_146 = tpu.memref_squeeze %dma_wait3A_145 : memref<1x64xi32, #tpu.memory_space<vmem>> -> memref<64xi32, #tpu.memory_space<vmem>>
    %dma_wait3A_147 = arith.constant 0 : i32
    %dma_wait3A_148 = arith.constant 0 : i32
    %dma_wait3A_149 = tpu.memref_slice %arg2[%dma_wait3A_147, %dma_wait3A_148] : memref<100000x512xf32, #tpu.memory_space<hbm>> -> memref<100000x512xf32, #tpu.memory_space<hbm>>
    tpu.wait_indirect_dma semaphore(%arg10 : memref<!tpu.dma_semaphore, #tpu.memory_space<semaphore_mem>>) src(%dma_wait3A_149 : memref<100000x512xf32, #tpu.memory_space<hbm>>) dst(%arg8 : memref<64x512xf32, #tpu.memory_space<vmem>>)
    %add3A_150 = arith.constant 256 : i32
    %add3A_151 = arith.addi %mul3A_2, %add3A_150 : i32
    "tpu.region"() ({
      %run_scoped3A = tpu.sem_alloc : memref<!tpu.dma_semaphore, #tpu.memory_space<semaphore_mem>>
      %dma_start3A_257 = arith.constant 0 : i32
      %dma_start3A_258 = tpu.memref_slice %arg5[%add3A_151, %dma_start3A_257] : memref<16384x512xf32, #tpu.memory_space<hbm>> -> memref<64x512xf32, #tpu.memory_space<hbm>>
      %dma_start3A_259 = arith.constant 0 : i32
      %dma_start3A_260 = tpu.memref_slice %arg5[%add3A_151, %dma_start3A_259] : memref<16384x512xf32, #tpu.memory_space<hbm>> -> memref<64x512xf32, #tpu.memory_space<hbm>>
      tpu.enqueue_dma source(%arg8 : memref<64x512xf32, #tpu.memory_space<vmem>>) target(%dma_start3A_260 : memref<64x512xf32, #tpu.memory_space<hbm>>) target_semaphore(%run_scoped3A : memref<!tpu.dma_semaphore, #tpu.memory_space<semaphore_mem>>)
      %dma_wait3A_261 = arith.constant 0 : i32
      %dma_wait3A_262 = tpu.memref_slice %arg5[%add3A_151, %dma_wait3A_261] : memref<16384x512xf32, #tpu.memory_space<hbm>> -> memref<64x512xf32, #tpu.memory_space<hbm>>
      %dma_wait3A_263 = arith.constant 0 : i32
      %dma_wait3A_264 = tpu.memref_slice %arg5[%add3A_151, %dma_wait3A_263] : memref<16384x512xf32, #tpu.memory_space<hbm>> -> memref<64x512xf32, #tpu.memory_space<hbm>>
      tpu.wait_dma2 semaphore(%run_scoped3A : memref<!tpu.dma_semaphore, #tpu.memory_space<semaphore_mem>>) src(%arg8 : memref<64x512xf32, #tpu.memory_space<vmem>>) dst(%dma_wait3A_264 : memref<64x512xf32, #tpu.memory_space<hbm>>)
      tpu.yield
    }) : () -> ()
    %dma_wait3A_152 = arith.constant 4 : i32
    %dma_wait3A_153 = arith.constant 0 : i32
    %dma_wait3A_154 = tpu.memref_slice %arg7[%dma_wait3A_152, %dma_wait3A_153] : memref<8x64xi32, #tpu.memory_space<vmem>> -> memref<1x64xi32, #tpu.memory_space<vmem>>
    %dma_wait3A_155 = tpu.memref_squeeze %dma_wait3A_154 : memref<1x64xi32, #tpu.memory_space<vmem>> -> memref<64xi32, #tpu.memory_space<vmem>>
    %dma_wait3A_156 = arith.constant 0 : i32
    %dma_wait3A_157 = arith.constant 0 : i32
    %dma_wait3A_158 = tpu.memref_slice %arg3[%dma_wait3A_156, %dma_wait3A_157] : memref<100000x512xf32, #tpu.memory_space<hbm>> -> memref<100000x512xf32, #tpu.memory_space<hbm>>
    tpu.wait_indirect_dma semaphore(%arg11 : memref<!tpu.dma_semaphore, #tpu.memory_space<semaphore_mem>>) src(%dma_wait3A_158 : memref<100000x512xf32, #tpu.memory_space<hbm>>) dst(%arg9 : memref<64x512xf32, #tpu.memory_space<vmem>>)
    %add3A_159 = arith.constant 256 : i32
    %add3A_160 = arith.addi %mul3A_2, %add3A_159 : i32
    "tpu.region"() ({
      %run_scoped3A = tpu.sem_alloc : memref<!tpu.dma_semaphore, #tpu.memory_space<semaphore_mem>>
      %dma_start3A_257 = arith.constant 0 : i32
      %dma_start3A_258 = tpu.memref_slice %arg6[%add3A_160, %dma_start3A_257] : memref<16384x512xf32, #tpu.memory_space<hbm>> -> memref<64x512xf32, #tpu.memory_space<hbm>>
      %dma_start3A_259 = arith.constant 0 : i32
      %dma_start3A_260 = tpu.memref_slice %arg6[%add3A_160, %dma_start3A_259] : memref<16384x512xf32, #tpu.memory_space<hbm>> -> memref<64x512xf32, #tpu.memory_space<hbm>>
      tpu.enqueue_dma source(%arg9 : memref<64x512xf32, #tpu.memory_space<vmem>>) target(%dma_start3A_260 : memref<64x512xf32, #tpu.memory_space<hbm>>) target_semaphore(%run_scoped3A : memref<!tpu.dma_semaphore, #tpu.memory_space<semaphore_mem>>)
      %dma_wait3A_261 = arith.constant 0 : i32
      %dma_wait3A_262 = tpu.memref_slice %arg6[%add3A_160, %dma_wait3A_261] : memref<16384x512xf32, #tpu.memory_space<hbm>> -> memref<64x512xf32, #tpu.memory_space<hbm>>
      %dma_wait3A_263 = arith.constant 0 : i32
      %dma_wait3A_264 = tpu.memref_slice %arg6[%add3A_160, %dma_wait3A_263] : memref<16384x512xf32, #tpu.memory_space<hbm>> -> memref<64x512xf32, #tpu.memory_space<hbm>>
      tpu.wait_dma2 semaphore(%run_scoped3A : memref<!tpu.dma_semaphore, #tpu.memory_space<semaphore_mem>>) src(%arg9 : memref<64x512xf32, #tpu.memory_space<vmem>>) dst(%dma_wait3A_264 : memref<64x512xf32, #tpu.memory_space<hbm>>)
      tpu.yield
    }) : () -> ()
    %dma_start3A_161 = arith.constant 5 : i32
    %dma_start3A_162 = arith.constant 0 : i32
    %dma_start3A_163 = tpu.memref_slice %arg7[%dma_start3A_161, %dma_start3A_162] : memref<8x64xi32, #tpu.memory_space<vmem>> -> memref<1x64xi32, #tpu.memory_space<vmem>>
    %dma_start3A_164 = tpu.memref_squeeze %dma_start3A_163 : memref<1x64xi32, #tpu.memory_space<vmem>> -> memref<64xi32, #tpu.memory_space<vmem>>
    %dma_start3A_165 = arith.constant 0 : i32
    %dma_start3A_166 = arith.constant 0 : i32
    %dma_start3A_167 = tpu.memref_slice %arg2[%dma_start3A_165, %dma_start3A_166] : memref<100000x512xf32, #tpu.memory_space<hbm>> -> memref<100000x512xf32, #tpu.memory_space<hbm>>
    tpu.enqueue_indirect_dma source(%dma_start3A_167 : memref<100000x512xf32, #tpu.memory_space<hbm>>) target(%arg8 : memref<64x512xf32, #tpu.memory_space<vmem>>) offsets(%dma_start3A_164 : memref<64xi32, #tpu.memory_space<vmem>>) semaphore(%arg10 : memref<!tpu.dma_semaphore, #tpu.memory_space<semaphore_mem>>)
    %dma_start3A_168 = arith.constant 5 : i32
    %dma_start3A_169 = arith.constant 0 : i32
    %dma_start3A_170 = tpu.memref_slice %arg7[%dma_start3A_168, %dma_start3A_169] : memref<8x64xi32, #tpu.memory_space<vmem>> -> memref<1x64xi32, #tpu.memory_space<vmem>>
    %dma_start3A_171 = tpu.memref_squeeze %dma_start3A_170 : memref<1x64xi32, #tpu.memory_space<vmem>> -> memref<64xi32, #tpu.memory_space<vmem>>
    %dma_start3A_172 = arith.constant 0 : i32
    %dma_start3A_173 = arith.constant 0 : i32
    %dma_start3A_174 = tpu.memref_slice %arg3[%dma_start3A_172, %dma_start3A_173] : memref<100000x512xf32, #tpu.memory_space<hbm>> -> memref<100000x512xf32, #tpu.memory_space<hbm>>
    tpu.enqueue_indirect_dma source(%dma_start3A_174 : memref<100000x512xf32, #tpu.memory_space<hbm>>) target(%arg9 : memref<64x512xf32, #tpu.memory_space<vmem>>) offsets(%dma_start3A_171 : memref<64xi32, #tpu.memory_space<vmem>>) semaphore(%arg11 : memref<!tpu.dma_semaphore, #tpu.memory_space<semaphore_mem>>)
    %dma_wait3A_175 = arith.constant 5 : i32
    %dma_wait3A_176 = arith.constant 0 : i32
    %dma_wait3A_177 = tpu.memref_slice %arg7[%dma_wait3A_175, %dma_wait3A_176] : memref<8x64xi32, #tpu.memory_space<vmem>> -> memref<1x64xi32, #tpu.memory_space<vmem>>
    %dma_wait3A_178 = tpu.memref_squeeze %dma_wait3A_177 : memref<1x64xi32, #tpu.memory_space<vmem>> -> memref<64xi32, #tpu.memory_space<vmem>>
    %dma_wait3A_179 = arith.constant 0 : i32
    %dma_wait3A_180 = arith.constant 0 : i32
    %dma_wait3A_181 = tpu.memref_slice %arg2[%dma_wait3A_179, %dma_wait3A_180] : memref<100000x512xf32, #tpu.memory_space<hbm>> -> memref<100000x512xf32, #tpu.memory_space<hbm>>
    tpu.wait_indirect_dma semaphore(%arg10 : memref<!tpu.dma_semaphore, #tpu.memory_space<semaphore_mem>>) src(%dma_wait3A_181 : memref<100000x512xf32, #tpu.memory_space<hbm>>) dst(%arg8 : memref<64x512xf32, #tpu.memory_space<vmem>>)
    %add3A_182 = arith.constant 320 : i32
    %add3A_183 = arith.addi %mul3A_2, %add3A_182 : i32
    "tpu.region"() ({
      %run_scoped3A = tpu.sem_alloc : memref<!tpu.dma_semaphore, #tpu.memory_space<semaphore_mem>>
      %dma_start3A_257 = arith.constant 0 : i32
      %dma_start3A_258 = tpu.memref_slice %arg5[%add3A_183, %dma_start3A_257] : memref<16384x512xf32, #tpu.memory_space<hbm>> -> memref<64x512xf32, #tpu.memory_space<hbm>>
      %dma_start3A_259 = arith.constant 0 : i32
      %dma_start3A_260 = tpu.memref_slice %arg5[%add3A_183, %dma_start3A_259] : memref<16384x512xf32, #tpu.memory_space<hbm>> -> memref<64x512xf32, #tpu.memory_space<hbm>>
      tpu.enqueue_dma source(%arg8 : memref<64x512xf32, #tpu.memory_space<vmem>>) target(%dma_start3A_260 : memref<64x512xf32, #tpu.memory_space<hbm>>) target_semaphore(%run_scoped3A : memref<!tpu.dma_semaphore, #tpu.memory_space<semaphore_mem>>)
      %dma_wait3A_261 = arith.constant 0 : i32
      %dma_wait3A_262 = tpu.memref_slice %arg5[%add3A_183, %dma_wait3A_261] : memref<16384x512xf32, #tpu.memory_space<hbm>> -> memref<64x512xf32, #tpu.memory_space<hbm>>
      %dma_wait3A_263 = arith.constant 0 : i32
      %dma_wait3A_264 = tpu.memref_slice %arg5[%add3A_183, %dma_wait3A_263] : memref<16384x512xf32, #tpu.memory_space<hbm>> -> memref<64x512xf32, #tpu.memory_space<hbm>>
      tpu.wait_dma2 semaphore(%run_scoped3A : memref<!tpu.dma_semaphore, #tpu.memory_space<semaphore_mem>>) src(%arg8 : memref<64x512xf32, #tpu.memory_space<vmem>>) dst(%dma_wait3A_264 : memref<64x512xf32, #tpu.memory_space<hbm>>)
      tpu.yield
    }) : () -> ()
    %dma_wait3A_184 = arith.constant 5 : i32
    %dma_wait3A_185 = arith.constant 0 : i32
    %dma_wait3A_186 = tpu.memref_slice %arg7[%dma_wait3A_184, %dma_wait3A_185] : memref<8x64xi32, #tpu.memory_space<vmem>> -> memref<1x64xi32, #tpu.memory_space<vmem>>
    %dma_wait3A_187 = tpu.memref_squeeze %dma_wait3A_186 : memref<1x64xi32, #tpu.memory_space<vmem>> -> memref<64xi32, #tpu.memory_space<vmem>>
    %dma_wait3A_188 = arith.constant 0 : i32
    %dma_wait3A_189 = arith.constant 0 : i32
    %dma_wait3A_190 = tpu.memref_slice %arg3[%dma_wait3A_188, %dma_wait3A_189] : memref<100000x512xf32, #tpu.memory_space<hbm>> -> memref<100000x512xf32, #tpu.memory_space<hbm>>
    tpu.wait_indirect_dma semaphore(%arg11 : memref<!tpu.dma_semaphore, #tpu.memory_space<semaphore_mem>>) src(%dma_wait3A_190 : memref<100000x512xf32, #tpu.memory_space<hbm>>) dst(%arg9 : memref<64x512xf32, #tpu.memory_space<vmem>>)
    %add3A_191 = arith.constant 320 : i32
    %add3A_192 = arith.addi %mul3A_2, %add3A_191 : i32
    "tpu.region"() ({
      %run_scoped3A = tpu.sem_alloc : memref<!tpu.dma_semaphore, #tpu.memory_space<semaphore_mem>>
      %dma_start3A_257 = arith.constant 0 : i32
      %dma_start3A_258 = tpu.memref_slice %arg6[%add3A_192, %dma_start3A_257] : memref<16384x512xf32, #tpu.memory_space<hbm>> -> memref<64x512xf32, #tpu.memory_space<hbm>>
      %dma_start3A_259 = arith.constant 0 : i32
      %dma_start3A_260 = tpu.memref_slice %arg6[%add3A_192, %dma_start3A_259] : memref<16384x512xf32, #tpu.memory_space<hbm>> -> memref<64x512xf32, #tpu.memory_space<hbm>>
      tpu.enqueue_dma source(%arg9 : memref<64x512xf32, #tpu.memory_space<vmem>>) target(%dma_start3A_260 : memref<64x512xf32, #tpu.memory_space<hbm>>) target_semaphore(%run_scoped3A : memref<!tpu.dma_semaphore, #tpu.memory_space<semaphore_mem>>)
      %dma_wait3A_261 = arith.constant 0 : i32
      %dma_wait3A_262 = tpu.memref_slice %arg6[%add3A_192, %dma_wait3A_261] : memref<16384x512xf32, #tpu.memory_space<hbm>> -> memref<64x512xf32, #tpu.memory_space<hbm>>
      %dma_wait3A_263 = arith.constant 0 : i32
      %dma_wait3A_264 = tpu.memref_slice %arg6[%add3A_192, %dma_wait3A_263] : memref<16384x512xf32, #tpu.memory_space<hbm>> -> memref<64x512xf32, #tpu.memory_space<hbm>>
      tpu.wait_dma2 semaphore(%run_scoped3A : memref<!tpu.dma_semaphore, #tpu.memory_space<semaphore_mem>>) src(%arg9 : memref<64x512xf32, #tpu.memory_space<vmem>>) dst(%dma_wait3A_264 : memref<64x512xf32, #tpu.memory_space<hbm>>)
      tpu.yield
    }) : () -> ()
    %dma_start3A_193 = arith.constant 6 : i32
    %dma_start3A_194 = arith.constant 0 : i32
    %dma_start3A_195 = tpu.memref_slice %arg7[%dma_start3A_193, %dma_start3A_194] : memref<8x64xi32, #tpu.memory_space<vmem>> -> memref<1x64xi32, #tpu.memory_space<vmem>>
    %dma_start3A_196 = tpu.memref_squeeze %dma_start3A_195 : memref<1x64xi32, #tpu.memory_space<vmem>> -> memref<64xi32, #tpu.memory_space<vmem>>
    %dma_start3A_197 = arith.constant 0 : i32
    %dma_start3A_198 = arith.constant 0 : i32
    %dma_start3A_199 = tpu.memref_slice %arg2[%dma_start3A_197, %dma_start3A_198] : memref<100000x512xf32, #tpu.memory_space<hbm>> -> memref<100000x512xf32, #tpu.memory_space<hbm>>
    tpu.enqueue_indirect_dma source(%dma_start3A_199 : memref<100000x512xf32, #tpu.memory_space<hbm>>) target(%arg8 : memref<64x512xf32, #tpu.memory_space<vmem>>) offsets(%dma_start3A_196 : memref<64xi32, #tpu.memory_space<vmem>>) semaphore(%arg10 : memref<!tpu.dma_semaphore, #tpu.memory_space<semaphore_mem>>)
    %dma_start3A_200 = arith.constant 6 : i32
    %dma_start3A_201 = arith.constant 0 : i32
    %dma_start3A_202 = tpu.memref_slice %arg7[%dma_start3A_200, %dma_start3A_201] : memref<8x64xi32, #tpu.memory_space<vmem>> -> memref<1x64xi32, #tpu.memory_space<vmem>>
    %dma_start3A_203 = tpu.memref_squeeze %dma_start3A_202 : memref<1x64xi32, #tpu.memory_space<vmem>> -> memref<64xi32, #tpu.memory_space<vmem>>
    %dma_start3A_204 = arith.constant 0 : i32
    %dma_start3A_205 = arith.constant 0 : i32
    %dma_start3A_206 = tpu.memref_slice %arg3[%dma_start3A_204, %dma_start3A_205] : memref<100000x512xf32, #tpu.memory_space<hbm>> -> memref<100000x512xf32, #tpu.memory_space<hbm>>
    tpu.enqueue_indirect_dma source(%dma_start3A_206 : memref<100000x512xf32, #tpu.memory_space<hbm>>) target(%arg9 : memref<64x512xf32, #tpu.memory_space<vmem>>) offsets(%dma_start3A_203 : memref<64xi32, #tpu.memory_space<vmem>>) semaphore(%arg11 : memref<!tpu.dma_semaphore, #tpu.memory_space<semaphore_mem>>)
    %dma_wait3A_207 = arith.constant 6 : i32
    %dma_wait3A_208 = arith.constant 0 : i32
    %dma_wait3A_209 = tpu.memref_slice %arg7[%dma_wait3A_207, %dma_wait3A_208] : memref<8x64xi32, #tpu.memory_space<vmem>> -> memref<1x64xi32, #tpu.memory_space<vmem>>
    %dma_wait3A_210 = tpu.memref_squeeze %dma_wait3A_209 : memref<1x64xi32, #tpu.memory_space<vmem>> -> memref<64xi32, #tpu.memory_space<vmem>>
    %dma_wait3A_211 = arith.constant 0 : i32
    %dma_wait3A_212 = arith.constant 0 : i32
    %dma_wait3A_213 = tpu.memref_slice %arg2[%dma_wait3A_211, %dma_wait3A_212] : memref<100000x512xf32, #tpu.memory_space<hbm>> -> memref<100000x512xf32, #tpu.memory_space<hbm>>
    tpu.wait_indirect_dma semaphore(%arg10 : memref<!tpu.dma_semaphore, #tpu.memory_space<semaphore_mem>>) src(%dma_wait3A_213 : memref<100000x512xf32, #tpu.memory_space<hbm>>) dst(%arg8 : memref<64x512xf32, #tpu.memory_space<vmem>>)
    %add3A_214 = arith.constant 384 : i32
    %add3A_215 = arith.addi %mul3A_2, %add3A_214 : i32
    "tpu.region"() ({
      %run_scoped3A = tpu.sem_alloc : memref<!tpu.dma_semaphore, #tpu.memory_space<semaphore_mem>>
      %dma_start3A_257 = arith.constant 0 : i32
      %dma_start3A_258 = tpu.memref_slice %arg5[%add3A_215, %dma_start3A_257] : memref<16384x512xf32, #tpu.memory_space<hbm>> -> memref<64x512xf32, #tpu.memory_space<hbm>>
      %dma_start3A_259 = arith.constant 0 : i32
      %dma_start3A_260 = tpu.memref_slice %arg5[%add3A_215, %dma_start3A_259] : memref<16384x512xf32, #tpu.memory_space<hbm>> -> memref<64x512xf32, #tpu.memory_space<hbm>>
      tpu.enqueue_dma source(%arg8 : memref<64x512xf32, #tpu.memory_space<vmem>>) target(%dma_start3A_260 : memref<64x512xf32, #tpu.memory_space<hbm>>) target_semaphore(%run_scoped3A : memref<!tpu.dma_semaphore, #tpu.memory_space<semaphore_mem>>)
      %dma_wait3A_261 = arith.constant 0 : i32
      %dma_wait3A_262 = tpu.memref_slice %arg5[%add3A_215, %dma_wait3A_261] : memref<16384x512xf32, #tpu.memory_space<hbm>> -> memref<64x512xf32, #tpu.memory_space<hbm>>
      %dma_wait3A_263 = arith.constant 0 : i32
      %dma_wait3A_264 = tpu.memref_slice %arg5[%add3A_215, %dma_wait3A_263] : memref<16384x512xf32, #tpu.memory_space<hbm>> -> memref<64x512xf32, #tpu.memory_space<hbm>>
      tpu.wait_dma2 semaphore(%run_scoped3A : memref<!tpu.dma_semaphore, #tpu.memory_space<semaphore_mem>>) src(%arg8 : memref<64x512xf32, #tpu.memory_space<vmem>>) dst(%dma_wait3A_264 : memref<64x512xf32, #tpu.memory_space<hbm>>)
      tpu.yield
    }) : () -> ()
    %dma_wait3A_216 = arith.constant 6 : i32
    %dma_wait3A_217 = arith.constant 0 : i32
    %dma_wait3A_218 = tpu.memref_slice %arg7[%dma_wait3A_216, %dma_wait3A_217] : memref<8x64xi32, #tpu.memory_space<vmem>> -> memref<1x64xi32, #tpu.memory_space<vmem>>
    %dma_wait3A_219 = tpu.memref_squeeze %dma_wait3A_218 : memref<1x64xi32, #tpu.memory_space<vmem>> -> memref<64xi32, #tpu.memory_space<vmem>>
    %dma_wait3A_220 = arith.constant 0 : i32
    %dma_wait3A_221 = arith.constant 0 : i32
    %dma_wait3A_222 = tpu.memref_slice %arg3[%dma_wait3A_220, %dma_wait3A_221] : memref<100000x512xf32, #tpu.memory_space<hbm>> -> memref<100000x512xf32, #tpu.memory_space<hbm>>
    tpu.wait_indirect_dma semaphore(%arg11 : memref<!tpu.dma_semaphore, #tpu.memory_space<semaphore_mem>>) src(%dma_wait3A_222 : memref<100000x512xf32, #tpu.memory_space<hbm>>) dst(%arg9 : memref<64x512xf32, #tpu.memory_space<vmem>>)
    %add3A_223 = arith.constant 384 : i32
    %add3A_224 = arith.addi %mul3A_2, %add3A_223 : i32
    "tpu.region"() ({
      %run_scoped3A = tpu.sem_alloc : memref<!tpu.dma_semaphore, #tpu.memory_space<semaphore_mem>>
      %dma_start3A_257 = arith.constant 0 : i32
      %dma_start3A_258 = tpu.memref_slice %arg6[%add3A_224, %dma_start3A_257] : memref<16384x512xf32, #tpu.memory_space<hbm>> -> memref<64x512xf32, #tpu.memory_space<hbm>>
      %dma_start3A_259 = arith.constant 0 : i32
      %dma_start3A_260 = tpu.memref_slice %arg6[%add3A_224, %dma_start3A_259] : memref<16384x512xf32, #tpu.memory_space<hbm>> -> memref<64x512xf32, #tpu.memory_space<hbm>>
      tpu.enqueue_dma source(%arg9 : memref<64x512xf32, #tpu.memory_space<vmem>>) target(%dma_start3A_260 : memref<64x512xf32, #tpu.memory_space<hbm>>) target_semaphore(%run_scoped3A : memref<!tpu.dma_semaphore, #tpu.memory_space<semaphore_mem>>)
      %dma_wait3A_261 = arith.constant 0 : i32
      %dma_wait3A_262 = tpu.memref_slice %arg6[%add3A_224, %dma_wait3A_261] : memref<16384x512xf32, #tpu.memory_space<hbm>> -> memref<64x512xf32, #tpu.memory_space<hbm>>
      %dma_wait3A_263 = arith.constant 0 : i32
      %dma_wait3A_264 = tpu.memref_slice %arg6[%add3A_224, %dma_wait3A_263] : memref<16384x512xf32, #tpu.memory_space<hbm>> -> memref<64x512xf32, #tpu.memory_space<hbm>>
      tpu.wait_dma2 semaphore(%run_scoped3A : memref<!tpu.dma_semaphore, #tpu.memory_space<semaphore_mem>>) src(%arg9 : memref<64x512xf32, #tpu.memory_space<vmem>>) dst(%dma_wait3A_264 : memref<64x512xf32, #tpu.memory_space<hbm>>)
      tpu.yield
    }) : () -> ()
    %dma_start3A_225 = arith.constant 7 : i32
    %dma_start3A_226 = arith.constant 0 : i32
    %dma_start3A_227 = tpu.memref_slice %arg7[%dma_start3A_225, %dma_start3A_226] : memref<8x64xi32, #tpu.memory_space<vmem>> -> memref<1x64xi32, #tpu.memory_space<vmem>>
    %dma_start3A_228 = tpu.memref_squeeze %dma_start3A_227 : memref<1x64xi32, #tpu.memory_space<vmem>> -> memref<64xi32, #tpu.memory_space<vmem>>
    %dma_start3A_229 = arith.constant 0 : i32
    %dma_start3A_230 = arith.constant 0 : i32
    %dma_start3A_231 = tpu.memref_slice %arg2[%dma_start3A_229, %dma_start3A_230] : memref<100000x512xf32, #tpu.memory_space<hbm>> -> memref<100000x512xf32, #tpu.memory_space<hbm>>
    tpu.enqueue_indirect_dma source(%dma_start3A_231 : memref<100000x512xf32, #tpu.memory_space<hbm>>) target(%arg8 : memref<64x512xf32, #tpu.memory_space<vmem>>) offsets(%dma_start3A_228 : memref<64xi32, #tpu.memory_space<vmem>>) semaphore(%arg10 : memref<!tpu.dma_semaphore, #tpu.memory_space<semaphore_mem>>)
    %dma_start3A_232 = arith.constant 7 : i32
    %dma_start3A_233 = arith.constant 0 : i32
    %dma_start3A_234 = tpu.memref_slice %arg7[%dma_start3A_232, %dma_start3A_233] : memref<8x64xi32, #tpu.memory_space<vmem>> -> memref<1x64xi32, #tpu.memory_space<vmem>>
    %dma_start3A_235 = tpu.memref_squeeze %dma_start3A_234 : memref<1x64xi32, #tpu.memory_space<vmem>> -> memref<64xi32, #tpu.memory_space<vmem>>
    %dma_start3A_236 = arith.constant 0 : i32
    %dma_start3A_237 = arith.constant 0 : i32
    %dma_start3A_238 = tpu.memref_slice %arg3[%dma_start3A_236, %dma_start3A_237] : memref<100000x512xf32, #tpu.memory_space<hbm>> -> memref<100000x512xf32, #tpu.memory_space<hbm>>
    tpu.enqueue_indirect_dma source(%dma_start3A_238 : memref<100000x512xf32, #tpu.memory_space<hbm>>) target(%arg9 : memref<64x512xf32, #tpu.memory_space<vmem>>) offsets(%dma_start3A_235 : memref<64xi32, #tpu.memory_space<vmem>>) semaphore(%arg11 : memref<!tpu.dma_semaphore, #tpu.memory_space<semaphore_mem>>)
    %dma_wait3A_239 = arith.constant 7 : i32
    %dma_wait3A_240 = arith.constant 0 : i32
    %dma_wait3A_241 = tpu.memref_slice %arg7[%dma_wait3A_239, %dma_wait3A_240] : memref<8x64xi32, #tpu.memory_space<vmem>> -> memref<1x64xi32, #tpu.memory_space<vmem>>
    %dma_wait3A_242 = tpu.memref_squeeze %dma_wait3A_241 : memref<1x64xi32, #tpu.memory_space<vmem>> -> memref<64xi32, #tpu.memory_space<vmem>>
    %dma_wait3A_243 = arith.constant 0 : i32
    %dma_wait3A_244 = arith.constant 0 : i32
    %dma_wait3A_245 = tpu.memref_slice %arg2[%dma_wait3A_243, %dma_wait3A_244] : memref<100000x512xf32, #tpu.memory_space<hbm>> -> memref<100000x512xf32, #tpu.memory_space<hbm>>
    tpu.wait_indirect_dma semaphore(%arg10 : memref<!tpu.dma_semaphore, #tpu.memory_space<semaphore_mem>>) src(%dma_wait3A_245 : memref<100000x512xf32, #tpu.memory_space<hbm>>) dst(%arg8 : memref<64x512xf32, #tpu.memory_space<vmem>>)
    %add3A_246 = arith.constant 448 : i32
    %add3A_247 = arith.addi %mul3A_2, %add3A_246 : i32
    "tpu.region"() ({
      %run_scoped3A = tpu.sem_alloc : memref<!tpu.dma_semaphore, #tpu.memory_space<semaphore_mem>>
      %dma_start3A_257 = arith.constant 0 : i32
      %dma_start3A_258 = tpu.memref_slice %arg5[%add3A_247, %dma_start3A_257] : memref<16384x512xf32, #tpu.memory_space<hbm>> -> memref<64x512xf32, #tpu.memory_space<hbm>>
      %dma_start3A_259 = arith.constant 0 : i32
      %dma_start3A_260 = tpu.memref_slice %arg5[%add3A_247, %dma_start3A_259] : memref<16384x512xf32, #tpu.memory_space<hbm>> -> memref<64x512xf32, #tpu.memory_space<hbm>>
      tpu.enqueue_dma source(%arg8 : memref<64x512xf32, #tpu.memory_space<vmem>>) target(%dma_start3A_260 : memref<64x512xf32, #tpu.memory_space<hbm>>) target_semaphore(%run_scoped3A : memref<!tpu.dma_semaphore, #tpu.memory_space<semaphore_mem>>)
      %dma_wait3A_261 = arith.constant 0 : i32
      %dma_wait3A_262 = tpu.memref_slice %arg5[%add3A_247, %dma_wait3A_261] : memref<16384x512xf32, #tpu.memory_space<hbm>> -> memref<64x512xf32, #tpu.memory_space<hbm>>
      %dma_wait3A_263 = arith.constant 0 : i32
      %dma_wait3A_264 = tpu.memref_slice %arg5[%add3A_247, %dma_wait3A_263] : memref<16384x512xf32, #tpu.memory_space<hbm>> -> memref<64x512xf32, #tpu.memory_space<hbm>>
      tpu.wait_dma2 semaphore(%run_scoped3A : memref<!tpu.dma_semaphore, #tpu.memory_space<semaphore_mem>>) src(%arg8 : memref<64x512xf32, #tpu.memory_space<vmem>>) dst(%dma_wait3A_264 : memref<64x512xf32, #tpu.memory_space<hbm>>)
      tpu.yield
    }) : () -> ()
    %dma_wait3A_248 = arith.constant 7 : i32
    %dma_wait3A_249 = arith.constant 0 : i32
    %dma_wait3A_250 = tpu.memref_slice %arg7[%dma_wait3A_248, %dma_wait3A_249] : memref<8x64xi32, #tpu.memory_space<vmem>> -> memref<1x64xi32, #tpu.memory_space<vmem>>
    %dma_wait3A_251 = tpu.memref_squeeze %dma_wait3A_250 : memref<1x64xi32, #tpu.memory_space<vmem>> -> memref<64xi32, #tpu.memory_space<vmem>>
    %dma_wait3A_252 = arith.constant 0 : i32
    %dma_wait3A_253 = arith.constant 0 : i32
    %dma_wait3A_254 = tpu.memref_slice %arg3[%dma_wait3A_252, %dma_wait3A_253] : memref<100000x512xf32, #tpu.memory_space<hbm>> -> memref<100000x512xf32, #tpu.memory_space<hbm>>
    tpu.wait_indirect_dma semaphore(%arg11 : memref<!tpu.dma_semaphore, #tpu.memory_space<semaphore_mem>>) src(%dma_wait3A_254 : memref<100000x512xf32, #tpu.memory_space<hbm>>) dst(%arg9 : memref<64x512xf32, #tpu.memory_space<vmem>>)
    %add3A_255 = arith.constant 448 : i32
    %add3A_256 = arith.addi %mul3A_2, %add3A_255 : i32
    "tpu.region"() ({
      %run_scoped3A = tpu.sem_alloc : memref<!tpu.dma_semaphore, #tpu.memory_space<semaphore_mem>>
      %dma_start3A_257 = arith.constant 0 : i32
      %dma_start3A_258 = tpu.memref_slice %arg6[%add3A_256, %dma_start3A_257] : memref<16384x512xf32, #tpu.memory_space<hbm>> -> memref<64x512xf32, #tpu.memory_space<hbm>>
      %dma_start3A_259 = arith.constant 0 : i32
      %dma_start3A_260 = tpu.memref_slice %arg6[%add3A_256, %dma_start3A_259] : memref<16384x512xf32, #tpu.memory_space<hbm>> -> memref<64x512xf32, #tpu.memory_space<hbm>>
      tpu.enqueue_dma source(%arg9 : memref<64x512xf32, #tpu.memory_space<vmem>>) target(%dma_start3A_260 : memref<64x512xf32, #tpu.memory_space<hbm>>) target_semaphore(%run_scoped3A : memref<!tpu.dma_semaphore, #tpu.memory_space<semaphore_mem>>)
      %dma_wait3A_261 = arith.constant 0 : i32
      %dma_wait3A_262 = tpu.memref_slice %arg6[%add3A_256, %dma_wait3A_261] : memref<16384x512xf32, #tpu.memory_space<hbm>> -> memref<64x512xf32, #tpu.memory_space<hbm>>
      %dma_wait3A_263 = arith.constant 0 : i32
      %dma_wait3A_264 = tpu.memref_slice %arg6[%add3A_256, %dma_wait3A_263] : memref<16384x512xf32, #tpu.memory_space<hbm>> -> memref<64x512xf32, #tpu.memory_space<hbm>>
      tpu.wait_dma2 semaphore(%run_scoped3A : memref<!tpu.dma_semaphore, #tpu.memory_space<semaphore_mem>>) src(%arg9 : memref<64x512xf32, #tpu.memory_space<vmem>>) dst(%dma_wait3A_264 : memref<64x512xf32, #tpu.memory_space<hbm>>)
      tpu.yield
    }) : () -> ()
    return
  }
}

module attributes {stable_mosaic.version = 14 : i64} {
  func.func @_tc_body(%arg0: i32, %arg1: memref<512x1xi32, #tpu.memory_space<vmem>>, %arg2: memref<512x512xf32, #tpu.memory_space<vmem>>, %arg3: memref<512x512xf32, #tpu.memory_space<vmem>>, %arg4: memref<512x512xf32, #tpu.memory_space<vmem>>, %arg5: memref<1x512xf32, #tpu.memory_space<vmem>>, %arg6: memref<512x512xf32, #tpu.memory_space<vmem>>) attributes {dimension_semantics = [#tpu.dimension_semantics<arbitrary>], iteration_bounds = array<i64: 32>, scalar_prefetch = 0 : i64, scratch_operands = 0 : i64, tpu.core_type = #tpu.core_type<tc>, window_params = [{transform_indices = @transform_0, window_bounds = array<i64: 512, 1>}, {transform_indices = @transform_1, window_bounds = array<i64: 512, 512>}, {transform_indices = @transform_2, window_bounds = array<i64: 512, 512>}, {pipeline_mode = #tpu.pipeline_mode<synchronous>, transform_indices = @transform_3, window_bounds = array<i64: 512, 512>}, {pipeline_mode = #tpu.pipeline_mode<synchronous>, transform_indices = @transform_4, window_bounds = array<i64: 1, 512>}, {transform_indices = @transform_5, window_bounds = array<i64: 512, 512>}]} {
    %get3A = arith.constant 0 : index
    %get3A_0 = arith.constant 0 : index
    %get3A_1 = vector.load %arg2[%get3A, %get3A_0] : memref<512x512xf32, #tpu.memory_space<vmem>>, vector<512x512xf32>
    %get3A_2 = arith.constant 0 : index
    %get3A_3 = arith.constant 0 : index
    %get3A_4 = vector.load %arg4[%get3A_2, %get3A_3] : memref<512x512xf32, #tpu.memory_space<vmem>>, vector<512x512xf32>
    %dot_general3A = arith.constant dense<0.000000e+00> : vector<512x512xf32>
    %dot_general3A_5 = tpu.matmul %get3A_1, %get3A_4, %dot_general3A {dimension_numbers = #tpu.dot_dimension_numbers<[1], [1], [0], [0], [0, 0, 1, 0], [], []>, transpose_lhs_hint = false} : vector<512x512xf32>, vector<512x512xf32>, vector<512x512xf32> -> vector<512x512xf32>
    %get3A_6 = arith.constant 0 : index
    %get3A_7 = arith.constant 0 : index
    %get3A_8 = vector.load %arg5[%get3A_6, %get3A_7] : memref<1x512xf32, #tpu.memory_space<vmem>>, vector<1x512xf32>
    %add3A = vector.broadcast %get3A_8 : vector<1x512xf32> to vector<512x512xf32>
    %add3A_9 = arith.addf %dot_general3A_5, %add3A : vector<512x512xf32>
    %get3A_10 = arith.constant 0 : index
    %get3A_11 = arith.constant 0 : index
    %get3A_12 = vector.load %arg1[%get3A_10, %get3A_11] : memref<512x1xi32, #tpu.memory_space<vmem>>, vector<512x1xi32>
    %eq3A = arith.constant 0 : i32
    %eq3A_13 = vector.broadcast %eq3A : i32 to vector<512x1xi32>
    %eq3A_14 = arith.cmpi eq, %get3A_12, %eq3A_13 : vector<512x1xi32>
    %get3A_15 = arith.constant 0 : index
    %get3A_16 = arith.constant 0 : index
    %get3A_17 = vector.load %arg3[%get3A_15, %get3A_16] : memref<512x512xf32, #tpu.memory_space<vmem>>, vector<512x512xf32>
    %broadcast_in_dim3A = vector.shape_cast %eq3A_14 : vector<512x1xi1> to vector<512x1xi1>
    %broadcast_in_dim3A_18 = vector.broadcast %broadcast_in_dim3A : vector<512x1xi1> to vector<512x512xi1>
    %select_n3A = arith.select %broadcast_in_dim3A_18, %add3A_9, %get3A_17 : vector<512x512xi1>, vector<512x512xf32>
    %swap3A = arith.constant 0 : index
    %swap3A_19 = arith.constant 0 : index
    %swap3A_20 = vector.load %arg6[%swap3A, %swap3A_19] : memref<512x512xf32, #tpu.memory_space<vmem>>, vector<512x512xf32>
    tpu.vector_store %arg6[%swap3A, %swap3A_19], %select_n3A {strides = array<i32>} : memref<512x512xf32, #tpu.memory_space<vmem>>, vector<512x512xf32>,
    return
  }
  func.func @transform_0(%arg0: i32) -> (i32, i32) {
    %c0_i32 = arith.constant 0 : i32
    %c0_i32_0 = arith.constant 0 : i32
    return %arg0, %c0_i32 : i32, i32
  }
  func.func @transform_1(%arg0: i32) -> (i32, i32) {
    %c0_i32 = arith.constant 0 : i32
    %c0_i32_0 = arith.constant 0 : i32
    return %arg0, %c0_i32 : i32, i32
  }
  func.func @transform_2(%arg0: i32) -> (i32, i32) {
    %c0_i32 = arith.constant 0 : i32
    %c0_i32_0 = arith.constant 0 : i32
    return %arg0, %c0_i32 : i32, i32
  }
  func.func @transform_3(%arg0: i32) -> (i32, i32) {
    %c0_i32 = arith.constant 0 : i32
    %c0_i32_0 = arith.constant 0 : i32
    %c0_i32_1 = arith.constant 0 : i32
    return %c0_i32, %c0_i32_0 : i32, i32
  }
  func.func @transform_4(%arg0: i32) -> (i32, i32) {
    %c0_i32 = arith.constant 0 : i32
    %c0_i32_0 = arith.constant 0 : i32
    %c0_i32_1 = arith.constant 0 : i32
    return %c0_i32, %c0_i32_0 : i32, i32
  }
  func.func @transform_5(%arg0: i32) -> (i32, i32) {
    %c0_i32 = arith.constant 0 : i32
    %c0_i32_0 = arith.constant 0 : i32
    return %arg0, %c0_i32 : i32, i32
  }
}

</mosaic_0001>

<sc_bundles>
// kernel: kernel.4.cloned.1.call-start
scs
__scs_entry_jumppad:
0x0: {  	(pc) =	sbr.rel $0x88, $3  }
0x1: {  	(tag) =	ssettag $0x0;
	lr =	simm.s32 $0x1  }
0x2: {  	[smem:$0x3F9B] =	sst lr;
	_ =	strace $0xD0000000  }
0x3: {  	_ = 	snop  }
0x4: {  	_ = 	snop  }
0x5: {  	_ = 	snop  }
0x6: {  	_ = 	snop  }
0x7: {  	_ = 	snop  }
__scs_overlays_trampoline_lowered:
0x8: {  	[smem:$0x3FAA] =	sst s0  }
0x9: {  	[smem:$0x3FAB] =	sst s1  }
0xa: {  	[smem:$0x3FAC] =	sst s2  }
0xb: {  	[smem:$0x3FAD] =	sst s3  }
0xc: {  	[smem:$0x3FAE] =	sst s4  }
0xd: {  	[smem:$0x3FAF] =	sst s5  }
0xe: {  	[smem:$0x3FB0] =	sst s6  }
0xf: {  	[smem:$0x3FB1] =	sst s7  }
0x10: {  	[smem:$0x3FB2] =	sst s8  }
0x11: {  	[smem:$0x3FB3] =	sst s9;
	s0 =	simm.s32 @!p0 $0x0  }
0x12: {  	s1 =	sld [smem:$0x3F99];
	s0 =	simm.s32 @p0 $0x1  }
0x13: {  	[smem:$0x3FB4] =	sst s0;
	s0 =	simm.s32 @!p1 $0x0  }
0x14: {  	s2 =	sld [smem:$0x3F98];
	s0 =	simm.s32 @p1 $0x1  }
0x15: {  	[smem:$0x3FB5] =	sst s0;
	s0 =	simm.s32 @!p2 $0x0  }
0x16: {  	s3 =	sld [smem:$0x3FDB];
	s0 =	simm.s32 @p2 $0x1  }
0x17: {  	s4 =	simm.s32 $0x1BF5;
	[smem:$0x3FB7] =	sst s0  }
0x18: {  	s0 =	sld [smem:$0x3F9A];
	_ =	swait.ge [sflag:s4], $0x0  }
0x19: {  	s7 =	sld [smem:$0x3F9B]  }
0x1a: {  	s8 =	sadd.s32 $0xFFFFE003, lr  }
0x1b: {  	s9 =	sadd.s32 $0xFFFFFEF7, lr;
	s5 =	simm.s32 $0xFFFFFFFF;
	p2 =	slt.u32 s8, $0xFFFFF086  }
0x1c: {  	p1 =	slt.u32 s9, $0xF7A;
	s5 =	simm.s32 @!p2 $0x0  }
0x1d: {  	s5 =	simm.s32 @p1 $0x1;
	p0 =	seq.s32 s7, s2  }
0x1e: {  	s7 =	smul.u32 @!p0 $0xF7A, s2;
	p2 =	seq.s32 @!p0 s5, $0x0  }
0x1f: {  	s9 =	smul.u32 $0xF7A, s1;
	s8 =	simm.s32 @!p0 $0x1BF5;
	p2 =	por !p2, p0  }
0x20: {  	[sflag:s8] =	ssyncset.s32 @!p0 $0xFFFFF086;
	s6 =	sadd.s32 @!p0 s3, s7;
	s7 =	simm.s32 @!p0 $0x108  }
0x21: {  	s3 =	sadd.s32 s3, s9;
	s6 =	sadd.s32 @!p0 $0x88, s6;
	s7 =	simm.s32 @p2 $0x1082  }
0x22: {  	[simem:s7], [sflag:s8] =	dma.local @!p0 [hbm:s6], $0xF7A  }
0x23: {  	s9 =	sor.u32 $0xD0000000, s2;
	s6 =	simm.s32 $0x108;
	_ =	swait.ge @!p0 [sflag:s8], $0x0  }
0x24: {  	s3 =	sadd.s32 $0x88, s3;
	s6 =	simm.s32 @!p1 $0x1082;
	[sflag:s4] =	ssyncset.s32 $0xFFFFF086  }
0x25: {  	[simem:s6], [sflag:s4] =	dma.local [hbm:s3], $0xF7A  }
0x26: {  	[smem:$0x3F9B] =	sst s1;
	(tag) =	ssettag s2;
	_ =	strace s9  }
0x27: {  	s1 =	sld [smem:$0x3FAB]  }
0x28: {  	s2 =	sld [smem:$0x3FAC]  }
0x29: {  	s4 =	sld [smem:$0x3FAE]  }
0x2a: {  	p0 =	seq.s32 s5, $0x0;
	s5 =	sld [smem:$0x3FAF]  }
0x2b: {  	s6 =	sld [smem:$0x3FB0]  }
0x2c: {  	s7 =	sld [smem:$0x3FB1]  }
0x2d: {  	s3 =	simm.s32 $0x108;
	s8 =	sld [smem:$0x3FB2]  }
0x2e: {  	s3 =	simm.s32 @!p0 $0x1082;
	s9 =	sld [smem:$0x3FB3]  }
0x2f: {  	lr =	sadd.s32 s0, s3;
	s0 =	sld [smem:$0x3FAA]  }
0x30: {  	s3 =	sld [smem:$0x3FAD]  }
0x31: {  	[smem:$0x3FB6] =	sst s10  }
0x32: {  	s10 =	sld [smem:$0x3FB4];
	_ =	sdelay $0x3  }
0x33: {  	p0 =	seq.s32 s10, $0x1;
	s10 =	sld [smem:$0x3FB6];
	_ =	sdelay $0x3  }
0x34: {  	[smem:$0x3FB6] =	sst s10  }
0x35: {  	s10 =	sld [smem:$0x3FB5];
	_ =	sdelay $0x3  }
0x36: {  	p1 =	seq.s32 s10, $0x1;
	s10 =	sld [smem:$0x3FB6];
	_ =	sdelay $0x3  }
0x37: {  	[smem:$0x3FB6] =	sst s10  }
0x38: {  	s10 =	sld [smem:$0x3FB7]  }
0x39: {  	_ = 	snop;
	(pc) =	sbr.ind lr, $3  }
0x3a: {  	_ = 	snop  }
0x3b: {  	_ = 	snop  }
0x3c: {  	p2 =	seq.s32 s10, $0x1;
	s10 =	sld [smem:$0x3FB6]  }
0x3d: {  	_ =	shalt  }
0x3e: {  	_ =	shalt  }
0x3f: {  	_ =	shalt  }
0x40: {  	_ =	shalt  }
0x41: {  	_ =	shalt  }
0x42: {  	_ =	shalt  }
0x43: {  	_ =	shalt  }
0x44: {  	_ =	shalt  }
0x45: {  	_ =	shalt  }
0x46: {  	_ =	shalt  }
0x47: {  	_ =	shalt  }
0x48: {  	_ =	shalt  }
0x49: {  	_ =	shalt  }
0x4a: {  	_ =	shalt  }
0x4b: {  	_ =	shalt  }
0x4c: {  	_ =	shalt  }
0x4d: {  	_ =	shalt  }
0x4e: {  	_ =	shalt  }
0x4f: {  	_ =	shalt  }
0x50: {  	_ =	shalt  }
0x51: {  	_ =	shalt  }
0x52: {  	_ =	shalt  }
0x53: {  	_ =	shalt  }
0x54: {  	_ =	shalt  }
0x55: {  	_ =	shalt  }
0x56: {  	_ =	shalt  }
0x57: {  	_ =	shalt  }
0x58: {  	_ =	shalt  }
0x59: {  	_ =	shalt  }
0x5a: {  	_ =	shalt  }
0x5b: {  	_ =	shalt  }
0x5c: {  	_ =	shalt  }
0x5d: {  	_ =	shalt  }
0x5e: {  	_ =	shalt  }
0x5f: {  	_ =	shalt  }
0x60: {  	_ =	shalt  }
0x61: {  	_ =	shalt  }
0x62: {  	_ =	shalt  }
0x63: {  	_ =	shalt  }
0x64: {  	_ =	shalt  }
0x65: {  	_ =	shalt  }
0x66: {  	_ =	shalt  }
0x67: {  	_ =	shalt  }
0x68: {  	_ =	shalt  }
0x69: {  	_ =	shalt  }
0x6a: {  	_ =	shalt  }
0x6b: {  	_ =	shalt  }
0x6c: {  	_ =	shalt  }
0x6d: {  	_ =	shalt  }
0x6e: {  	_ =	shalt  }
0x6f: {  	_ =	shalt  }
0x70: {  	_ =	shalt  }
0x71: {  	_ =	shalt  }
0x72: {  	_ =	shalt  }
0x73: {  	_ =	shalt  }
0x74: {  	_ =	shalt  }
0x75: {  	_ =	shalt  }
0x76: {  	_ =	shalt  }
0x77: {  	_ =	shalt  }
0x78: {  	_ =	shalt  }
0x79: {  	_ =	shalt  }
0x7a: {  	_ =	shalt  }
0x7b: {  	_ =	shalt  }
0x7c: {  	_ =	shalt  }
0x7d: {  	_ =	shalt  }
0x7e: {  	_ =	shalt  }
0x7f: {  	_ =	shalt  }
0x80: {  	_ =	shalt  }
0x81: {  	_ =	shalt  }
0x82: {  	_ =	shalt  }
0x83: {  	_ =	shalt  }
0x84: {  	_ =	shalt  }
0x85: {  	_ =	shalt  }
0x86: {  	_ =	shalt  }
0x87: {  	_ =	shalt  }
.Lfunc_end0:
.L_simem_size_0:
called_computation_lowered:
.L_overlay_start_0:
0x88: {  	s2 =	sld [smem:$0x3FD9]  }
0x89: {  	s3 =	sld [smem:$0x3FFE];
	_ =	sdelay $0x1  }
0x8a: {  	s1 =	srdreg.scid  }
0x8b: {  	s0 =	sand.u32 $0x1, s1  }
0x8c: {  	s17 =	sshll.u32 s0, $0xA;
	s2 =	sadd.s32 s3, s2  }
0x8d: {  	s2 =	sadd.s32 s2, s17  }
0x8e: {  	[smem:$0x3FC2] =	sst s2  }
0x8f: {  	_ = 	snop  }
0x90: {  	s2 =	sld [smem:$0x3FC9]  }
0x91: {  	s18 =	sld [smem:$0x3FC6]  }
0x92: {  	s4 =	sld [smem:$0x3FD0];
	(tm) =	ssettm $0x1  }
0x93: {  	s5 =	sld [smem:$0x3FFB];
	_ =	sdelay $0x3  }
0x94: {  	_ =	strace s5  }
0x95: {  	s5 =	sld [smem:$0x3FFC];
	_ =	sdelay $0x3  }
0x96: {  	_ =	strace s5  }
0x97: {  	s5 =	sld [smem:$0x3FFD];
	_ =	sdelay $0x3  }
0x98: {  	_ =	strace s5  }
0x99: {  	_ =	strace $0x8FFFFFFF  }
0x9a: {  	s19 =	sld [smem:$0x3FDB];
	_ =	sdelay $0x1  }
0x9b: {  	s6 =	simm.s32 $_scs_section_size  }
0x9c: {  	s7 =	simm.s32 $_size__tile_overlayer_lowered;
	s8 =	simm.s32 $_tile_overlayer_lowered  }
0x9d: {  	s22 =	simm.s32 $0x1BFF;
	s21 =	sshll.u32 s8, $0x1;
	s5 =	sadd.s32 s6, s19  }
0x9e: {  	s9 =	simm.s32 $0x0;
	s20 =	sshll.u32 s7, $0x1;
	s7 =	sadd.s32 s21, s5  }
0x9f: {  	[timem:s9], [sflag:s22] =	dma.local [hbm:s7], s20  }
0xa0: {  	_ =	swait.ge [sflag:s22], s20  }
0xa1: {  	s6 =	ssub.s32 $0x0, s20;
	[sflag:s22] =	ssyncset.done $0x0  }
0xa2: {  	[sflag:s22] =	ssyncadd.s32 s6;
	_ =	sdelay $0x1  }
0xa3: {  	s23 =	simm.s32 $0x1B8B  }
0xa4: {  	_ =	swait.ge [sflag:s23], $0x1  }
0xa5: {  	[sflag:s23] =	ssyncset.done $0x0  }
0xa6: {  	s25 =	simm.s32 $0x1B8E;
	s24 =	sld [smem:$0x3FFE];
	[sflag:s23] =	ssyncadd.s32 $0xFFFFFFFF  }
0xa7: {  	s26 =	simm.s32 $execute0_lowered;
	[smem:$0x3FD2] =	sst s25  }
0xa8: {  	s7 =	sshll.u32 s26, $0x1;
	_ =	strace $0x80000046;
	[dreg:$0x1] =	wrdreg $0xFFFFFFFF  }
0xa9: {  	s28 =	simm.s32 $_size_execute0_lowered;
	s5 =	sadd.s32 s5, s7;
	[dreg:$0x0] =	wrdreg $0x0  }
0xaa: {  	s7 =	sshll.u32 s28, $0x1;
	[dreg:$0x2] =	wrdreg s5  }
0xab: {  	[dreg:$0x3] =	wrdreg s7  }
0xac: {  	[dreg:$0x4] =	wrdreg $0xC0  }
0xad: {  	_ =	task [dreg:s9], $0x5FFFF  }
0xae: {  	[dreg:$0x1] =	wrdreg $0xFFFFFFFF  }
0xaf: {  	[dreg:$0x0] =	wrdreg $0x60  }
0xb0: {  	[dreg:$0x2] =	wrdreg s2  }
0xb1: {  	[dreg:$0x3] =	wrdreg s18  }
0xb2: {  	[dreg:$0x4] =	wrdreg s4  }
0xb3: {  	[dreg:$0x5] =	wrdreg s24  }
0xb4: {  	[dreg:$0x6] =	wrdreg $0x9  }
0xb5: {  	_ =	task.clear_ibuf [dreg:s9], $0x7FFFF;
	_ =	strace $0x90000046  }
0xb6: {  	s29 =	simm.s32 $0x9;
	_ =	strace $0x80000048  }
0xb7: {  	_ =	swait.ge [sflag:s29], $0x1  }
0xb8: {  	[sflag:s29] =	ssyncadd.s32 $0xFFFFFFFF  }
0xb9: {  	_ =	strace $0x90000048  }
0xba: {  	_ =	sfence  }
0xbb: {  	s30 =	sld [smem:$0x0];
	_ =	sdelay $0x2  }
0xbc: {  	s31 =	sshll.u32 s1, $0xD;
	s1 =	sshrl.u32 s1, $0x2  }
0xbd: {  	s3 =	sand.u32 $0x4000, s31;
	s1 =	sadd.s32 s1, s30  }
0xbe: {  	s0 =	sor.u32 s3, s0;
	s1 =	sshll.u32 s1, $0x11  }
0xbf: {  	s0 =	sor.u32 s1, s0  }
0xc0: {  	s0 =	sadd.s32 $0x8F2B, s0  }
0xc1: {  	[sflag:s0] =	ssyncadd.remote.s32 $0x1  }
0xc2: {  	_ =	sfence.sel $0xFFFF  }
0xc3: {  	[dreg:$0x0] =	wrdreg $0xFFFFFFFF;
	(pc) =	sbr.abs _section_cstart, $3  }
0xc4: {  	[dreg:$0x1] =	wrdreg $0xFFFFFFFF  }
0xc5: {  	_ =	task.clear_ibuf [dreg:s9], $0x2FFFF;
	_ =	strace $0x9FFFFFFF  }
0xc6: {  	(tm) =	ssettm $0x7FFFFFFF  }
0xc7: {  	_ =	shalt  }
tec
execute0_lowered:
.L_overlay_start_1:
0x0: {  	(tag) =	ssettag $0x1  }
0x1: {  	s1 =	rddreg [dreg:$0x0]  }
0x2: {  	s2 =	rddreg [dreg:$0x1]  }
0x3: {  	s0 =	rddreg [dreg:$0x2]  }
0x4: {  	s3 =	rddreg [dreg:$0x3]  }
0x5: {  	s5 =	srdreg.scid;
	s6 =	stileid.u32  }
0x6: {  	s4 =	simm.s32 $0x0;
	s5 =	sand.u32 $0x1, s5;
	s6 =	sshll.u32 s6, $0x1  }
0x7: {  	[smem:$0x7FF] =	sst s4;
	s6 =	sor.u32 s5, s6  }
0x8: {  	s8 =	sadd.s32 $0xE00, s3;
	s3 =	sadd.s32 $0x100E00, s3;
	s7 =	sshll.u32 s6, $0x7  }
0x9: {  	_ =	strace $0x80000047;
	s6 =	sshll.u32 s6, $0xF;
	s0 =	sadd.s32 s0, s7  }
0xa: {  	s5 =	ssub.s32 $0x2, s5;
	s7 =	sadd.s32 s8, s6;
	[dreg:$0x5] =	wrdreg s0  }
0xb: {  	s9 =	sadd.s32 s3, s6;
	s10 =	sor.u32 $0x1000, s6;
	[dreg:$0x6] =	wrdreg s7  }
0xc: {  	s29 =	sshrl.u32 s5, $0x1;
	[dreg:$0x7] =	wrdreg s9;
	s11 =	sadd.s32 s8, s10  }
0xd: {  	s13 =	sor.u32 $0x2000, s6;
	s12 =	sadd.s32 s3, s10;
	[dreg:$0x8] =	wrdreg s11  }
0xe: {  	s16 =	sor.u32 $0x3000, s6;
	s14 =	sadd.s32 s8, s13;
	[dreg:$0x9] =	wrdreg s12  }
0xf: {  	s19 =	sor.u32 $0x4000, s6;
	s15 =	sadd.s32 s3, s13;
	[dreg:$0xa] =	wrdreg s14  }
0x10: {  	s22 =	sor.u32 $0x5000, s6;
	s17 =	sadd.s32 s8, s16;
	[dreg:$0xb] =	wrdreg s15  }
0x11: {  	s25 =	sor.u32 $0x6000, s6;
	s18 =	sadd.s32 s3, s16;
	[dreg:$0xc] =	wrdreg s17  }
0x12: {  	s6 =	sor.u32 $0x7000, s6;
	s20 =	sadd.s32 s8, s19;
	[dreg:$0xd] =	wrdreg s18  }
0x13: {  	s21 =	sadd.s32 s3, s19;
	s23 =	sadd.s32 s8, s22;
	[dreg:$0xe] =	wrdreg s20  }
0x14: {  	s24 =	sadd.s32 s3, s22;
	s26 =	sadd.s32 s8, s25;
	[dreg:$0xf] =	wrdreg s21  }
0x15: {  	s28 =	sadd.s32 s3, s25;
	s30 =	sadd.s32 s8, s6;
	[dreg:$0x10] =	wrdreg s23  }
0x16: {  	s7 =	ssub.s32 s5, s29;
	s31 =	sadd.s32 s3, s6;
	[dreg:$0x11] =	wrdreg s24  }
0x17: {  	s5 =	sadd.s32 $0x100, s1;
	s6 =	sadd.s32 $0x100, s2;
	[dreg:$0x12] =	wrdreg s26  }
0x18: {  	v2 =	vlaneseq.u32;
	s8 =	simm.s32 $0x3;
	s3 =	simm.s32 $0x400;
	[dreg:$0x13] =	wrdreg s28  }
0x19: {  	vm0 =	vmmov $0xffff;
	v1 =	vshrl.u32 v2, $0x3;
	s25 =	simm.s32 $0x8400;
	s19 =	simm.s32 $0x2;
	[dreg:$0x14] =	wrdreg s30  }
0x1a: {  	v0 =	vand.u32 $0x7, v2;
	v2 =	vor.u32 $0x8, v2;
	v1 =	vmul.u32 $0x8, v1;
	[dreg:$0x15] =	wrdreg s31;
	s0 =	smax.u32 s7, $0x1;
	s18 =	simm.s32 $0x1  }
.LBB2_1:
0x1b: {  	[dreg:$0x16] =	wrdreg s0  }
0x1c: {  	s20 =	rddreg [dreg:$0x5]  }
0x1d: {  	[tilespmem:s4], [sflag:$0x3] =	stream.linear.gather [hbm4b:s20+s4], $0x400, $0x38;
	[tilespmem:$0x10400] =	vst v63  }
0x1e: {  	_ =	swait.ge [sflag:s8], $0x400  }
0x1f: {  	[sflag:s8] =	ssyncset.done $0x0  }
0x20: {  	[sflag:s8] =	ssyncadd.s32 $0xFFFFFC00  }
0x21: {  	v3 =	vld [tilespmem:$0x0];
	_ =	sdelay $0x4  }
0x22: {  	v4 =	vshll.u32 v3, $0x2  }
0x23: {  	v3 =	vand.u32 $0x7, v3;
	v4 =	vand.u32 $0xFFFFFFE0, v4  }
0x24: {  	v3 =	vor.u32 v3, v4  }
0x25: {  	v4 =	vperm.xlane v3, v0;
	_ =	sdelay $0x1  }
0x26: {  	v4 =	vadd.s32 v1, v4;
	_ =	sdelay $0x1  }
0x27: {  	v3 =	vperm.xlane v3, v2;
	_ =	sdelay $0x1  }
0x28: {  	v3 =	vadd.s32 v1, v3  }
0x29: {  	[tilespmem:s3], [sflag:$0x1] =	stream.indirect_vreg.gather [hbm4b:s1+s4], $0x80, v4, vm0, $0xb8;
	[tilespmem:$0x10400] =	vst v63  }
0x2a: {  	s23 =	simm.s32 $0xC00  }
0x2b: {  	[tilespmem:s23], [sflag:$0x1] =	stream.indirect_vreg.gather [hbm4b:s5+s4], $0x80, v4, vm0, $0xb8;
	[tilespmem:$0x10400] =	vst v63  }
0x2c: {  	s24 =	simm.s32 $0x1400  }
0x2d: {  	[tilespmem:s24], [sflag:$0x1] =	stream.indirect_vreg.gather [hbm4b:s1+s4], $0x80, v3, vm0, $0xb8;
	[tilespmem:$0x10400] =	vst v63  }
0x2e: {  	s26 =	simm.s32 $0x1C00  }
0x2f: {  	[tilespmem:s26], [sflag:$0x1] =	stream.indirect_vreg.gather [hbm4b:s5+s4], $0x80, v3, vm0, $0xb8;
	[tilespmem:$0x10400] =	vst v63  }
0x30: {  	v3 =	vld [tilespmem:$0x10];
	_ =	sdelay $0x4  }
0x31: {  	v57 =	vshll.u32 v3, $0x2  }
0x32: {  	v3 =	vand.u32 $0x7, v3;
	v4 =	vand.u32 $0xFFFFFFE0, v57  }
0x33: {  	v3 =	vor.u32 v3, v4  }
0x34: {  	v4 =	vperm.xlane v3, v0;
	_ =	sdelay $0x1  }
0x35: {  	v4 =	vadd.s32 v1, v4;
	_ =	sdelay $0x1  }
0x36: {  	v3 =	vperm.xlane v3, v2;
	_ =	sdelay $0x1  }
0x37: {  	s28 =	simm.s32 $0x2400;
	v3 =	vadd.s32 v1, v3  }
0x38: {  	[tilespmem:s28], [sflag:$0x1] =	stream.indirect_vreg.gather [hbm4b:s1+s4], $0x80, v4, vm0, $0xb8;
	[tilespmem:$0x10400] =	vst v63  }
0x39: {  	s29 =	simm.s32 $0x2C00  }
0x3a: {  	[tilespmem:s29], [sflag:$0x1] =	stream.indirect_vreg.gather [hbm4b:s5+s4], $0x80, v4, vm0, $0xb8;
	[tilespmem:$0x10400] =	vst v63  }
0x3b: {  	s30 =	simm.s32 $0x3400  }
0x3c: {  	[tilespmem:s30], [sflag:$0x1] =	stream.indirect_vreg.gather [hbm4b:s1+s4], $0x80, v3, vm0, $0xb8;
	[tilespmem:$0x10400] =	vst v63  }
0x3d: {  	s7 =	simm.s32 $0x3C00  }
0x3e: {  	[tilespmem:s7], [sflag:$0x1] =	stream.indirect_vreg.gather [hbm4b:s5+s4], $0x80, v3, vm0, $0xb8;
	[tilespmem:$0x10400] =	vst v63  }
0x3f: {  	v3 =	vld [tilespmem:$0x20];
	_ =	sdelay $0x4  }
0x40: {  	v58 =	vshll.u32 v3, $0x2  }
0x41: {  	v3 =	vand.u32 $0x7, v3;
	v4 =	vand.u32 $0xFFFFFFE0, v58  }
0x42: {  	v3 =	vor.u32 v3, v4  }
0x43: {  	v4 =	vperm.xlane v3, v0;
	_ =	sdelay $0x1  }
0x44: {  	v4 =	vadd.s32 v1, v4;
	_ =	sdelay $0x1  }
0x45: {  	v3 =	vperm.xlane v3, v2;
	_ =	sdelay $0x1  }
0x46: {  	s9 =	simm.s32 $0x4400;
	v3 =	vadd.s32 v1, v3  }
0x47: {  	[tilespmem:s9], [sflag:$0x1] =	stream.indirect_vreg.gather [hbm4b:s1+s4], $0x80, v4, vm0, $0xb8;
	[tilespmem:$0x10400] =	vst v63  }
0x48: {  	s10 =	simm.s32 $0x4C00  }
0x49: {  	[tilespmem:s10], [sflag:$0x1] =	stream.indirect_vreg.gather [hbm4b:s5+s4], $0x80, v4, vm0, $0xb8;
	[tilespmem:$0x10400] =	vst v63  }
0x4a: {  	s11 =	simm.s32 $0x5400  }
0x4b: {  	[tilespmem:s11], [sflag:$0x1] =	stream.indirect_vreg.gather [hbm4b:s1+s4], $0x80, v3, vm0, $0xb8;
	[tilespmem:$0x10400] =	vst v63  }
0x4c: {  	s12 =	simm.s32 $0x5C00  }
0x4d: {  	[tilespmem:s12], [sflag:$0x1] =	stream.indirect_vreg.gather [hbm4b:s5+s4], $0x80, v3, vm0, $0xb8;
	[tilespmem:$0x10400] =	vst v63  }
0x4e: {  	v3 =	vld [tilespmem:$0x30];
	_ =	sdelay $0x4  }
0x4f: {  	v59 =	vshll.u32 v3, $0x2  }
0x50: {  	v3 =	vand.u32 $0x7, v3;
	v4 =	vand.u32 $0xFFFFFFE0, v59  }
0x51: {  	v3 =	vor.u32 v3, v4  }
0x52: {  	v4 =	vperm.xlane v3, v0;
	_ =	sdelay $0x1  }
0x53: {  	v4 =	vadd.s32 v1, v4;
	_ =	sdelay $0x1  }
0x54: {  	v3 =	vperm.xlane v3, v2;
	_ =	sdelay $0x1  }
0x55: {  	s13 =	simm.s32 $0x6400;
	v3 =	vadd.s32 v1, v3  }
0x56: {  	[tilespmem:s13], [sflag:$0x1] =	stream.indirect_vreg.gather [hbm4b:s1+s4], $0x80, v4, vm0, $0xb8;
	[tilespmem:$0x10400] =	vst v63  }
0x57: {  	s14 =	simm.s32 $0x6C00  }
0x58: {  	[tilespmem:s14], [sflag:$0x1] =	stream.indirect_vreg.gather [hbm4b:s5+s4], $0x80, v4, vm0, $0xb8;
	[tilespmem:$0x10400] =	vst v63  }
0x59: {  	s20 =	simm.s32 $0x7400  }
0x5a: {  	[tilespmem:s20], [sflag:$0x1] =	stream.indirect_vreg.gather [hbm4b:s1+s4], $0x80, v3, vm0, $0xb8;
	[tilespmem:$0x10400] =	vst v63  }
0x5b: {  	s24 =	simm.s32 $0x7C00  }
0x5c: {  	[tilespmem:s24], [sflag:$0x1] =	stream.indirect_vreg.gather [hbm4b:s5+s4], $0x80, v3, vm0, $0xb8;
	[tilespmem:$0x10400] =	vst v63  }
0x5d: {  	v3 =	vld [tilespmem:$0x0];
	_ =	sdelay $0x4  }
0x5e: {  	v60 =	vshll.u32 v3, $0x2  }
0x5f: {  	v3 =	vand.u32 $0x7, v3;
	v4 =	vand.u32 $0xFFFFFFE0, v60  }
0x60: {  	v3 =	vor.u32 v3, v4  }
0x61: {  	v4 =	vperm.xlane v3, v0;
	_ =	sdelay $0x1  }
0x62: {  	v4 =	vadd.s32 v1, v4;
	_ =	sdelay $0x1  }
0x63: {  	v3 =	vperm.xlane v3, v2;
	_ =	sdelay $0x1  }
0x64: {  	v3 =	vadd.s32 v1, v3  }
0x65: {  	[tilespmem:s25], [sflag:$0x2] =	stream.indirect_vreg.gather [hbm4b:s2+s4], $0x80, v4, vm0, $0xb8;
	[tilespmem:$0x10400] =	vst v63  }
0x66: {  	s26 =	simm.s32 $0x8C00  }
0x67: {  	[tilespmem:s26], [sflag:$0x2] =	stream.indirect_vreg.gather [hbm4b:s6+s4], $0x80, v4, vm0, $0xb8;
	[tilespmem:$0x10400] =	vst v63  }
0x68: {  	s28 =	simm.s32 $0x9400  }
0x69: {  	[tilespmem:s28], [sflag:$0x2] =	stream.indirect_vreg.gather [hbm4b:s2+s4], $0x80, v3, vm0, $0xb8;
	[tilespmem:$0x10400] =	vst v63  }
0x6a: {  	s29 =	simm.s32 $0x9C00  }
0x6b: {  	[tilespmem:s29], [sflag:$0x2] =	stream.indirect_vreg.gather [hbm4b:s6+s4], $0x80, v3, vm0, $0xb8;
	[tilespmem:$0x10400] =	vst v63  }
0x6c: {  	v3 =	vld [tilespmem:$0x10];
	_ =	sdelay $0x4  }
0x6d: {  	v61 =	vshll.u32 v3, $0x2  }
0x6e: {  	v3 =	vand.u32 $0x7, v3;
	v4 =	vand.u32 $0xFFFFFFE0, v61  }
0x6f: {  	v3 =	vor.u32 v3, v4  }
0x70: {  	v4 =	vperm.xlane v3, v0;
	_ =	sdelay $0x1  }
0x71: {  	v4 =	vadd.s32 v1, v4;
	_ =	sdelay $0x1  }
0x72: {  	v3 =	vperm.xlane v3, v2;
	_ =	sdelay $0x1  }
0x73: {  	s7 =	simm.s32 $0xA400;
	v3 =	vadd.s32 v1, v3  }
0x74: {  	[tilespmem:s7], [sflag:$0x2] =	stream.indirect_vreg.gather [hbm4b:s2+s4], $0x80, v4, vm0, $0xb8;
	[tilespmem:$0x10400] =	vst v63  }
0x75: {  	s9 =	simm.s32 $0xAC00  }
0x76: {  	[tilespmem:s9], [sflag:$0x2] =	stream.indirect_vreg.gather [hbm4b:s6+s4], $0x80, v4, vm0, $0xb8;
	[tilespmem:$0x10400] =	vst v63  }
0x77: {  	s10 =	simm.s32 $0xB400  }
0x78: {  	[tilespmem:s10], [sflag:$0x2] =	stream.indirect_vreg.gather [hbm4b:s2+s4], $0x80, v3, vm0, $0xb8;
	[tilespmem:$0x10400] =	vst v63  }
0x79: {  	s11 =	simm.s32 $0xBC00  }
0x7a: {  	[tilespmem:s11], [sflag:$0x2] =	stream.indirect_vreg.gather [hbm4b:s6+s4], $0x80, v3, vm0, $0xb8;
	[tilespmem:$0x10400] =	vst v63  }
0x7b: {  	v3 =	vld [tilespmem:$0x20];
	_ =	sdelay $0x4  }
0x7c: {  	v62 =	vshll.u32 v3, $0x2  }
0x7d: {  	v3 =	vand.u32 $0x7, v3;
	v4 =	vand.u32 $0xFFFFFFE0, v62  }
0x7e: {  	v3 =	vor.u32 v3, v4  }
0x7f: {  	v4 =	vperm.xlane v3, v0;
	_ =	sdelay $0x1  }
0x80: {  	v4 =	vadd.s32 v1, v4;
	_ =	sdelay $0x1  }
0x81: {  	v3 =	vperm.xlane v3, v2;
	_ =	sdelay $0x1  }
0x82: {  	s12 =	simm.s32 $0xC400;
	v3 =	vadd.s32 v1, v3  }
0x83: {  	[tilespmem:s12], [sflag:$0x2] =	stream.indirect_vreg.gather [hbm4b:s2+s4], $0x80, v4, vm0, $0xb8;
	[tilespmem:$0x10400] =	vst v63  }
0x84: {  	s13 =	simm.s32 $0xCC00  }
0x85: {  	[tilespmem:s13], [sflag:$0x2] =	stream.indirect_vreg.gather [hbm4b:s6+s4], $0x80, v4, vm0, $0xb8;
	[tilespmem:$0x10400] =	vst v63  }
0x86: {  	s14 =	simm.s32 $0xD400  }
0x87: {  	[tilespmem:s14], [sflag:$0x2] =	stream.indirect_vreg.gather [hbm4b:s2+s4], $0x80, v3, vm0, $0xb8;
	[tilespmem:$0x10400] =	vst v63  }
0x88: {  	s28 =	simm.s32 $0xDC00  }
0x89: {  	[tilespmem:s28], [sflag:$0x2] =	stream.indirect_vreg.gather [hbm4b:s6+s4], $0x80, v3, vm0, $0xb8;
	[tilespmem:$0x10400] =	vst v63  }
0x8a: {  	v3 =	vld [tilespmem:$0x30];
	_ =	sdelay $0x4  }
0x8b: {  	v63 =	vshll.u32 v3, $0x2  }
0x8c: {  	v3 =	vand.u32 $0x7, v3;
	v4 =	vand.u32 $0xFFFFFFE0, v63  }
0x8d: {  	v3 =	vor.u32 v3, v4  }
0x8e: {  	v4 =	vperm.xlane v3, v0;
	_ =	sdelay $0x1  }
0x8f: {  	v4 =	vadd.s32 v1, v4;
	_ =	sdelay $0x1  }
0x90: {  	v3 =	vperm.xlane v3, v2;
	_ =	sdelay $0x1  }
0x91: {  	s29 =	simm.s32 $0xE400;
	v3 =	vadd.s32 v1, v3  }
0x92: {  	[tilespmem:s29], [sflag:$0x2] =	stream.indirect_vreg.gather [hbm4b:s2+s4], $0x80, v4, vm0, $0xb8;
	[tilespmem:$0x10400] =	vst v63  }
0x93: {  	s0 =	simm.s32 $0xEC00  }
0x94: {  	[tilespmem:s0], [sflag:$0x2] =	stream.indirect_vreg.gather [hbm4b:s6+s4], $0x80, v4, vm0, $0xb8;
	[tilespmem:$0x10400] =	vst v63  }
0x95: {  	s9 =	simm.s32 $0xF400  }
0x96: {  	[tilespmem:s9], [sflag:$0x2] =	stream.indirect_vreg.gather [hbm4b:s2+s4], $0x80, v3, vm0, $0xb8;
	[tilespmem:$0x10400] =	vst v63  }
0x97: {  	s29 =	simm.s32 $0xFC00  }
0x98: {  	[tilespmem:s29], [sflag:$0x2] =	stream.indirect_vreg.gather [hbm4b:s6+s4], $0x80, v3, vm0, $0xb8;
	[tilespmem:$0x10400] =	vst v63  }
0x99: {  	_ =	swait.ge [sflag:s18], $0x8000  }
0x9a: {  	[sflag:s18] =	ssyncset.done $0x0  }
0x9b: {  	s0 =	rddreg [dreg:$0x6];
	[sflag:s18] =	ssyncadd.s32 $0xFFFF8000  }
0x9c: {  	[hbm4b:s0+s4] =	stream.linear.scatter [tilespmem:s3], [sflag:$0x3], $0x8000, $0x38;
	[tilespmem:$0x10400] =	vst v63  }
0x9d: {  	_ =	swait.ge [sflag:s8], $0x8000  }
0x9e: {  	[sflag:s8] =	ssyncset.done $0x0  }
0x9f: {  	[sflag:s8] =	ssyncadd.s32 $0xFFFF8000  }
0xa0: {  	_ =	swait.ge [sflag:s19], $0x8000  }
0xa1: {  	[sflag:s19] =	ssyncset.done $0x0  }
0xa2: {  	s9 =	rddreg [dreg:$0x7];
	[sflag:s19] =	ssyncadd.s32 $0xFFFF8000  }
0xa3: {  	[hbm4b:s9+s4] =	stream.linear.scatter [tilespmem:s25], [sflag:$0x3], $0x8000, $0x38;
	[tilespmem:$0x10400] =	vst v63  }
0xa4: {  	_ =	swait.ge [sflag:s8], $0x8000  }
0xa5: {  	[sflag:s8] =	ssyncset.done $0x0  }
0xa6: {  	[sflag:s8] =	ssyncadd.s32 $0xFFFF8000  }
0xa7: {  	v3 =	vld [tilespmem:$0x80];
	_ =	sdelay $0x4  }
0xa8: {  	v8 =	vshll.u32 v3, $0x2  }
0xa9: {  	v3 =	vand.u32 $0x7, v3;
	v4 =	vand.u32 $0xFFFFFFE0, v8  }
0xaa: {  	v3 =	vor.u32 v3, v4  }
0xab: {  	v4 =	vperm.xlane v3, v0;
	_ =	sdelay $0x1  }
0xac: {  	v4 =	vadd.s32 v1, v4;
	_ =	sdelay $0x1  }
0xad: {  	v3 =	vperm.xlane v3, v2;
	_ =	sdelay $0x1  }
0xae: {  	v3 =	vadd.s32 v1, v3  }
0xaf: {  	[tilespmem:s3], [sflag:$0x1] =	stream.indirect_vreg.gather [hbm4b:s1+s4], $0x80, v4, vm0, $0xb8;
	[tilespmem:$0x10400] =	vst v63  }
0xb0: {  	s15 =	simm.s32 $0xC00  }
0xb1: {  	[tilespmem:s15], [sflag:$0x1] =	stream.indirect_vreg.gather [hbm4b:s5+s4], $0x80, v4, vm0, $0xb8;
	[tilespmem:$0x10400] =	vst v63  }
0xb2: {  	s16 =	simm.s32 $0x1400  }
0xb3: {  	[tilespmem:s16], [sflag:$0x1] =	stream.indirect_vreg.gather [hbm4b:s1+s4], $0x80, v3, vm0, $0xb8;
	[tilespmem:$0x10400] =	vst v63  }
0xb4: {  	s31 =	simm.s32 $0x1C00  }
0xb5: {  	[tilespmem:s31], [sflag:$0x1] =	stream.indirect_vreg.gather [hbm4b:s5+s4], $0x80, v3, vm0, $0xb8;
	[tilespmem:$0x10400] =	vst v63  }
0xb6: {  	v3 =	vld [tilespmem:$0x90];
	_ =	sdelay $0x4  }
0xb7: {  	v9 =	vshll.u32 v3, $0x2  }
0xb8: {  	v3 =	vand.u32 $0x7, v3;
	v4 =	vand.u32 $0xFFFFFFE0, v9  }
0xb9: {  	v3 =	vor.u32 v3, v4  }
0xba: {  	v4 =	vperm.xlane v3, v0;
	_ =	sdelay $0x1  }
0xbb: {  	v4 =	vadd.s32 v1, v4;
	_ =	sdelay $0x1  }
0xbc: {  	v3 =	vperm.xlane v3, v2;
	_ =	sdelay $0x1  }
0xbd: {  	s17 =	simm.s32 $0x2400;
	v3 =	vadd.s32 v1, v3  }
0xbe: {  	[tilespmem:s17], [sflag:$0x1] =	stream.indirect_vreg.gather [hbm4b:s1+s4], $0x80, v4, vm0, $0xb8;
	[tilespmem:$0x10400] =	vst v63  }
0xbf: {  	s21 =	simm.s32 $0x2C00  }
0xc0: {  	[tilespmem:s21], [sflag:$0x1] =	stream.indirect_vreg.gather [hbm4b:s5+s4], $0x80, v4, vm0, $0xb8;
	[tilespmem:$0x10400] =	vst v63  }
0xc1: {  	s22 =	simm.s32 $0x3400  }
0xc2: {  	[tilespmem:s22], [sflag:$0x1] =	stream.indirect_vreg.gather [hbm4b:s1+s4], $0x80, v3, vm0, $0xb8;
	[tilespmem:$0x10400] =	vst v63  }
0xc3: {  	s9 =	simm.s32 $0x3C00  }
0xc4: {  	[tilespmem:s9], [sflag:$0x1] =	stream.indirect_vreg.gather [hbm4b:s5+s4], $0x80, v3, vm0, $0xb8;
	[tilespmem:$0x10400] =	vst v63  }
0xc5: {  	v3 =	vld [tilespmem:$0xA0];
	_ =	sdelay $0x4  }
0xc6: {  	v10 =	vshll.u32 v3, $0x2  }
0xc7: {  	v3 =	vand.u32 $0x7, v3;
	v4 =	vand.u32 $0xFFFFFFE0, v10  }
0xc8: {  	v3 =	vor.u32 v3, v4  }
0xc9: {  	v4 =	vperm.xlane v3, v0;
	_ =	sdelay $0x1  }
0xca: {  	v4 =	vadd.s32 v1, v4;
	_ =	sdelay $0x1  }
0xcb: {  	v3 =	vperm.xlane v3, v2;
	_ =	sdelay $0x1  }
0xcc: {  	s23 =	simm.s32 $0x4400;
	v3 =	vadd.s32 v1, v3  }
0xcd: {  	[tilespmem:s23], [sflag:$0x1] =	stream.indirect_vreg.gather [hbm4b:s1+s4], $0x80, v4, vm0, $0xb8;
	[tilespmem:$0x10400] =	vst v63  }
0xce: {  	s30 =	simm.s32 $0x4C00  }
0xcf: {  	[tilespmem:s30], [sflag:$0x1] =	stream.indirect_vreg.gather [hbm4b:s5+s4], $0x80, v4, vm0, $0xb8;
	[tilespmem:$0x10400] =	vst v63  }
0xd0: {  	s15 =	simm.s32 $0x5400  }
0xd1: {  	[tilespmem:s15], [sflag:$0x1] =	stream.indirect_vreg.gather [hbm4b:s1+s4], $0x80, v3, vm0, $0xb8;
	[tilespmem:$0x10400] =	vst v63  }
0xd2: {  	s30 =	simm.s32 $0x5C00  }
0xd3: {  	[tilespmem:s30], [sflag:$0x1] =	stream.indirect_vreg.gather [hbm4b:s5+s4], $0x80, v3, vm0, $0xb8;
	[tilespmem:$0x10400] =	vst v63  }
0xd4: {  	v3 =	vld [tilespmem:$0xB0];
	_ =	sdelay $0x4  }
0xd5: {  	v11 =	vshll.u32 v3, $0x2  }
0xd6: {  	v3 =	vand.u32 $0x7, v3;
	v4 =	vand.u32 $0xFFFFFFE0, v11  }
0xd7: {  	v3 =	vor.u32 v3, v4  }
0xd8: {  	v4 =	vperm.xlane v3, v0;
	_ =	sdelay $0x1  }
0xd9: {  	v4 =	vadd.s32 v1, v4;
	_ =	sdelay $0x1  }
0xda: {  	v3 =	vperm.xlane v3, v2;
	_ =	sdelay $0x1  }
0xdb: {  	s16 =	simm.s32 $0x6400;
	v3 =	vadd.s32 v1, v3  }
0xdc: {  	[tilespmem:s16], [sflag:$0x1] =	stream.indirect_vreg.gather [hbm4b:s1+s4], $0x80, v4, vm0, $0xb8;
	[tilespmem:$0x10400] =	vst v63  }
0xdd: {  	s17 =	simm.s32 $0x6C00  }
0xde: {  	[tilespmem:s17], [sflag:$0x1] =	stream.indirect_vreg.gather [hbm4b:s5+s4], $0x80, v4, vm0, $0xb8;
	[tilespmem:$0x10400] =	vst v63  }
0xdf: {  	s21 =	simm.s32 $0x7400  }
0xe0: {  	[tilespmem:s21], [sflag:$0x1] =	stream.indirect_vreg.gather [hbm4b:s1+s4], $0x80, v3, vm0, $0xb8;
	[tilespmem:$0x10400] =	vst v63  }
0xe1: {  	s31 =	simm.s32 $0x7C00  }
0xe2: {  	[tilespmem:s31], [sflag:$0x1] =	stream.indirect_vreg.gather [hbm4b:s5+s4], $0x80, v3, vm0, $0xb8;
	[tilespmem:$0x10400] =	vst v63  }
0xe3: {  	v3 =	vld [tilespmem:$0x80];
	_ =	sdelay $0x4  }
0xe4: {  	v12 =	vshll.u32 v3, $0x2  }
0xe5: {  	v3 =	vand.u32 $0x7, v3;
	v4 =	vand.u32 $0xFFFFFFE0, v12  }
0xe6: {  	v3 =	vor.u32 v3, v4  }
0xe7: {  	v4 =	vperm.xlane v3, v0;
	_ =	sdelay $0x1  }
0xe8: {  	v4 =	vadd.s32 v1, v4;
	_ =	sdelay $0x1  }
0xe9: {  	v3 =	vperm.xlane v3, v2;
	_ =	sdelay $0x1  }
0xea: {  	v3 =	vadd.s32 v1, v3  }
0xeb: {  	[tilespmem:s25], [sflag:$0x2] =	stream.indirect_vreg.gather [hbm4b:s2+s4], $0x80, v4, vm0, $0xb8;
	[tilespmem:$0x10400] =	vst v63  }
0xec: {  	s22 =	simm.s32 $0x8C00  }
0xed: {  	[tilespmem:s22], [sflag:$0x2] =	stream.indirect_vreg.gather [hbm4b:s6+s4], $0x80, v4, vm0, $0xb8;
	[tilespmem:$0x10400] =	vst v63  }
0xee: {  	s23 =	simm.s32 $0x9400  }
0xef: {  	[tilespmem:s23], [sflag:$0x2] =	stream.indirect_vreg.gather [hbm4b:s2+s4], $0x80, v3, vm0, $0xb8;
	[tilespmem:$0x10400] =	vst v63  }
0xf0: {  	s0 =	simm.s32 $0x9C00  }
0xf1: {  	[tilespmem:s0], [sflag:$0x2] =	stream.indirect_vreg.gather [hbm4b:s6+s4], $0x80, v3, vm0, $0xb8;
	[tilespmem:$0x10400] =	vst v63  }
0xf2: {  	v3 =	vld [tilespmem:$0x90];
	_ =	sdelay $0x4  }
0xf3: {  	v13 =	vshll.u32 v3, $0x2  }
0xf4: {  	v3 =	vand.u32 $0x7, v3;
	v4 =	vand.u32 $0xFFFFFFE0, v13  }
0xf5: {  	v3 =	vor.u32 v3, v4  }
0xf6: {  	v4 =	vperm.xlane v3, v0;
	_ =	sdelay $0x1  }
0xf7: {  	v4 =	vadd.s32 v1, v4;
	_ =	sdelay $0x1  }
0xf8: {  	v3 =	vperm.xlane v3, v2;
	_ =	sdelay $0x1  }
0xf9: {  	s24 =	simm.s32 $0xA400;
	v3 =	vadd.s32 v1, v3  }
0xfa: {  	[tilespmem:s24], [sflag:$0x2] =	stream.indirect_vreg.gather [hbm4b:s2+s4], $0x80, v4, vm0, $0xb8;
	[tilespmem:$0x10400] =	vst v63  }
0xfb: {  	s7 =	simm.s32 $0xAC00  }
0xfc: {  	[tilespmem:s7], [sflag:$0x2] =	stream.indirect_vreg.gather [hbm4b:s6+s4], $0x80, v4, vm0, $0xb8;
	[tilespmem:$0x10400] =	vst v63  }
0xfd: {  	s10 =	simm.s32 $0xB400  }
0xfe: {  	[tilespmem:s10], [sflag:$0x2] =	stream.indirect_vreg.gather [hbm4b:s2+s4], $0x80, v3, vm0, $0xb8;
	[tilespmem:$0x10400] =	vst v63  }
0xff: {  	s26 =	simm.s32 $0xBC00  }
0x100: {  	[tilespmem:s26], [sflag:$0x2] =	stream.indirect_vreg.gather [hbm4b:s6+s4], $0x80, v3, vm0, $0xb8;
	[tilespmem:$0x10400] =	vst v63  }
0x101: {  	v3 =	vld [tilespmem:$0xA0];
	_ =	sdelay $0x4  }
0x102: {  	v14 =	vshll.u32 v3, $0x2  }
0x103: {  	v3 =	vand.u32 $0x7, v3;
	v4 =	vand.u32 $0xFFFFFFE0, v14  }
0x104: {  	v3 =	vor.u32 v3, v4  }
0x105: {  	v4 =	vperm.xlane v3, v0;
	_ =	sdelay $0x1  }
0x106: {  	v4 =	vadd.s32 v1, v4;
	_ =	sdelay $0x1  }
0x107: {  	v3 =	vperm.xlane v3, v2;
	_ =	sdelay $0x1  }
0x108: {  	s11 =	simm.s32 $0xC400;
	v3 =	vadd.s32 v1, v3  }
0x109: {  	[tilespmem:s11], [sflag:$0x2] =	stream.indirect_vreg.gather [hbm4b:s2+s4], $0x80, v4, vm0, $0xb8;
	[tilespmem:$0x10400] =	vst v63  }
0x10a: {  	s12 =	simm.s32 $0xCC00  }
0x10b: {  	[tilespmem:s12], [sflag:$0x2] =	stream.indirect_vreg.gather [hbm4b:s6+s4], $0x80, v4, vm0, $0xb8;
	[tilespmem:$0x10400] =	vst v63  }
0x10c: {  	s13 =	simm.s32 $0xD400  }
0x10d: {  	[tilespmem:s13], [sflag:$0x2] =	stream.indirect_vreg.gather [hbm4b:s2+s4], $0x80, v3, vm0, $0xb8;
	[tilespmem:$0x10400] =	vst v63  }
0x10e: {  	s28 =	simm.s32 $0xDC00  }
0x10f: {  	[tilespmem:s28], [sflag:$0x2] =	stream.indirect_vreg.gather [hbm4b:s6+s4], $0x80, v3, vm0, $0xb8;
	[tilespmem:$0x10400] =	vst v63  }
0x110: {  	v3 =	vld [tilespmem:$0xB0];
	_ =	sdelay $0x4  }
0x111: {  	v15 =	vshll.u32 v3, $0x2  }
0x112: {  	v3 =	vand.u32 $0x7, v3;
	v4 =	vand.u32 $0xFFFFFFE0, v15  }
0x113: {  	v3 =	vor.u32 v3, v4  }
0x114: {  	v4 =	vperm.xlane v3, v0;
	_ =	sdelay $0x1  }
0x115: {  	v4 =	vadd.s32 v1, v4;
	_ =	sdelay $0x1  }
0x116: {  	v3 =	vperm.xlane v3, v2;
	_ =	sdelay $0x1  }
0x117: {  	s14 =	simm.s32 $0xE400;
	v3 =	vadd.s32 v1, v3  }
0x118: {  	[tilespmem:s14], [sflag:$0x2] =	stream.indirect_vreg.gather [hbm4b:s2+s4], $0x80, v4, vm0, $0xb8;
	[tilespmem:$0x10400] =	vst v63  }
0x119: {  	s24 =	simm.s32 $0xEC00  }
0x11a: {  	[tilespmem:s24], [sflag:$0x2] =	stream.indirect_vreg.gather [hbm4b:s6+s4], $0x80, v4, vm0, $0xb8;
	[tilespmem:$0x10400] =	vst v63  }
0x11b: {  	s26 =	simm.s32 $0xF400  }
0x11c: {  	[tilespmem:s26], [sflag:$0x2] =	stream.indirect_vreg.gather [hbm4b:s2+s4], $0x80, v3, vm0, $0xb8;
	[tilespmem:$0x10400] =	vst v63  }
0x11d: {  	s29 =	simm.s32 $0xFC00  }
0x11e: {  	[tilespmem:s29], [sflag:$0x2] =	stream.indirect_vreg.gather [hbm4b:s6+s4], $0x80, v3, vm0, $0xb8;
	[tilespmem:$0x10400] =	vst v63  }
0x11f: {  	_ =	swait.ge [sflag:s18], $0x8000  }
0x120: {  	[sflag:s18] =	ssyncset.done $0x0  }
0x121: {  	s20 =	rddreg [dreg:$0x8];
	[sflag:s18] =	ssyncadd.s32 $0xFFFF8000  }
0x122: {  	[hbm4b:s20+s4] =	stream.linear.scatter [tilespmem:s3], [sflag:$0x3], $0x8000, $0x38;
	[tilespmem:$0x10400] =	vst v63  }
0x123: {  	_ =	swait.ge [sflag:s8], $0x8000  }
0x124: {  	[sflag:s8] =	ssyncset.done $0x0  }
0x125: {  	[sflag:s8] =	ssyncadd.s32 $0xFFFF8000  }
0x126: {  	_ =	swait.ge [sflag:s19], $0x8000  }
0x127: {  	[sflag:s19] =	ssyncset.done $0x0  }
0x128: {  	s20 =	rddreg [dreg:$0x9];
	[sflag:s19] =	ssyncadd.s32 $0xFFFF8000  }
0x129: {  	[hbm4b:s20+s4] =	stream.linear.scatter [tilespmem:s25], [sflag:$0x3], $0x8000, $0x38;
	[tilespmem:$0x10400] =	vst v63  }
0x12a: {  	_ =	swait.ge [sflag:s8], $0x8000  }
0x12b: {  	[sflag:s8] =	ssyncset.done $0x0  }
0x12c: {  	[sflag:s8] =	ssyncadd.s32 $0xFFFF8000  }
0x12d: {  	v3 =	vld [tilespmem:$0x100];
	_ =	sdelay $0x4  }
0x12e: {  	v16 =	vshll.u32 v3, $0x2  }
0x12f: {  	v3 =	vand.u32 $0x7, v3;
	v4 =	vand.u32 $0xFFFFFFE0, v16  }
0x130: {  	v3 =	vor.u32 v3, v4  }
0x131: {  	v4 =	vperm.xlane v3, v0;
	_ =	sdelay $0x1  }
0x132: {  	v4 =	vadd.s32 v1, v4;
	_ =	sdelay $0x1  }
0x133: {  	v3 =	vperm.xlane v3, v2;
	_ =	sdelay $0x1  }
0x134: {  	v3 =	vadd.s32 v1, v3  }
0x135: {  	[tilespmem:s3], [sflag:$0x1] =	stream.indirect_vreg.gather [hbm4b:s1+s4], $0x80, v4, vm0, $0xb8;
	[tilespmem:$0x10400] =	vst v63  }
0x136: {  	s20 =	simm.s32 $0xC00  }
0x137: {  	[tilespmem:s20], [sflag:$0x1] =	stream.indirect_vreg.gather [hbm4b:s5+s4], $0x80, v4, vm0, $0xb8;
	[tilespmem:$0x10400] =	vst v63  }
0x138: {  	s20 =	simm.s32 $0x1400  }
0x139: {  	[tilespmem:s20], [sflag:$0x1] =	stream.indirect_vreg.gather [hbm4b:s1+s4], $0x80, v3, vm0, $0xb8;
	[tilespmem:$0x10400] =	vst v63  }
0x13a: {  	s20 =	simm.s32 $0x1C00  }
0x13b: {  	[tilespmem:s20], [sflag:$0x1] =	stream.indirect_vreg.gather [hbm4b:s5+s4], $0x80, v3, vm0, $0xb8;
	[tilespmem:$0x10400] =	vst v63  }
0x13c: {  	v3 =	vld [tilespmem:$0x110];
	_ =	sdelay $0x4  }
0x13d: {  	v17 =	vshll.u32 v3, $0x2  }
0x13e: {  	v3 =	vand.u32 $0x7, v3;
	v4 =	vand.u32 $0xFFFFFFE0, v17  }
0x13f: {  	v3 =	vor.u32 v3, v4  }
0x140: {  	v4 =	vperm.xlane v3, v0;
	_ =	sdelay $0x1  }
0x141: {  	v4 =	vadd.s32 v1, v4;
	_ =	sdelay $0x1  }
0x142: {  	v3 =	vperm.xlane v3, v2;
	_ =	sdelay $0x1  }
0x143: {  	s20 =	simm.s32 $0x2400;
	v3 =	vadd.s32 v1, v3  }
0x144: {  	[tilespmem:s20], [sflag:$0x1] =	stream.indirect_vreg.gather [hbm4b:s1+s4], $0x80, v4, vm0, $0xb8;
	[tilespmem:$0x10400] =	vst v63  }
0x145: {  	s20 =	simm.s32 $0x2C00  }
0x146: {  	[tilespmem:s20], [sflag:$0x1] =	stream.indirect_vreg.gather [hbm4b:s5+s4], $0x80, v4, vm0, $0xb8;
	[tilespmem:$0x10400] =	vst v63  }
0x147: {  	s20 =	simm.s32 $0x3400  }
0x148: {  	[tilespmem:s20], [sflag:$0x1] =	stream.indirect_vreg.gather [hbm4b:s1+s4], $0x80, v3, vm0, $0xb8;
	[tilespmem:$0x10400] =	vst v63  }
0x149: {  	_ = 	snop  }
0x14a: {  	[tilespmem:s9], [sflag:$0x1] =	stream.indirect_vreg.gather [hbm4b:s5+s4], $0x80, v3, vm0, $0xb8;
	[tilespmem:$0x10400] =	vst v63  }
0x14b: {  	v3 =	vld [tilespmem:$0x120];
	_ =	sdelay $0x4  }
0x14c: {  	v18 =	vshll.u32 v3, $0x2  }
0x14d: {  	v3 =	vand.u32 $0x7, v3;
	v4 =	vand.u32 $0xFFFFFFE0, v18  }
0x14e: {  	v3 =	vor.u32 v3, v4  }
0x14f: {  	v4 =	vperm.xlane v3, v0;
	_ =	sdelay $0x1  }
0x150: {  	v4 =	vadd.s32 v1, v4;
	_ =	sdelay $0x1  }
0x151: {  	v3 =	vperm.xlane v3, v2;
	_ =	sdelay $0x1  }
0x152: {  	s20 =	simm.s32 $0x4400;
	v3 =	vadd.s32 v1, v3  }
0x153: {  	[tilespmem:s20], [sflag:$0x1] =	stream.indirect_vreg.gather [hbm4b:s1+s4], $0x80, v4, vm0, $0xb8;
	[tilespmem:$0x10400] =	vst v63  }
0x154: {  	s20 =	simm.s32 $0x4C00  }
0x155: {  	[tilespmem:s20], [sflag:$0x1] =	stream.indirect_vreg.gather [hbm4b:s5+s4], $0x80, v4, vm0, $0xb8;
	[tilespmem:$0x10400] =	vst v63  }
0x156: {  	_ = 	snop  }
0x157: {  	[tilespmem:s15], [sflag:$0x1] =	stream.indirect_vreg.gather [hbm4b:s1+s4], $0x80, v3, vm0, $0xb8;
	[tilespmem:$0x10400] =	vst v63  }
0x158: {  	_ = 	snop  }
0x159: {  	[tilespmem:s30], [sflag:$0x1] =	stream.indirect_vreg.gather [hbm4b:s5+s4], $0x80, v3, vm0, $0xb8;
	[tilespmem:$0x10400] =	vst v63  }
0x15a: {  	v3 =	vld [tilespmem:$0x130];
	_ =	sdelay $0x4  }
0x15b: {  	v19 =	vshll.u32 v3, $0x2  }
0x15c: {  	v3 =	vand.u32 $0x7, v3;
	v4 =	vand.u32 $0xFFFFFFE0, v19  }
0x15d: {  	v3 =	vor.u32 v3, v4  }
0x15e: {  	v4 =	vperm.xlane v3, v0;
	_ =	sdelay $0x1  }
0x15f: {  	v4 =	vadd.s32 v1, v4;
	_ =	sdelay $0x1  }
0x160: {  	v3 =	vperm.xlane v3, v2;
	_ =	sdelay $0x1  }
0x161: {  	v3 =	vadd.s32 v1, v3  }
0x162: {  	[tilespmem:s16], [sflag:$0x1] =	stream.indirect_vreg.gather [hbm4b:s1+s4], $0x80, v4, vm0, $0xb8;
	[tilespmem:$0x10400] =	vst v63  }
0x163: {  	_ = 	snop  }
0x164: {  	[tilespmem:s17], [sflag:$0x1] =	stream.indirect_vreg.gather [hbm4b:s5+s4], $0x80, v4, vm0, $0xb8;
	[tilespmem:$0x10400] =	vst v63  }
0x165: {  	_ = 	snop  }
0x166: {  	[tilespmem:s21], [sflag:$0x1] =	stream.indirect_vreg.gather [hbm4b:s1+s4], $0x80, v3, vm0, $0xb8;
	[tilespmem:$0x10400] =	vst v63  }
0x167: {  	_ = 	snop  }
0x168: {  	[tilespmem:s31], [sflag:$0x1] =	stream.indirect_vreg.gather [hbm4b:s5+s4], $0x80, v3, vm0, $0xb8;
	[tilespmem:$0x10400] =	vst v63  }
0x169: {  	v3 =	vld [tilespmem:$0x100];
	_ =	sdelay $0x4  }
0x16a: {  	v20 =	vshll.u32 v3, $0x2  }
0x16b: {  	v3 =	vand.u32 $0x7, v3;
	v4 =	vand.u32 $0xFFFFFFE0, v20  }
0x16c: {  	v3 =	vor.u32 v3, v4  }
0x16d: {  	v4 =	vperm.xlane v3, v0;
	_ =	sdelay $0x1  }
0x16e: {  	v4 =	vadd.s32 v1, v4;
	_ =	sdelay $0x1  }
0x16f: {  	v3 =	vperm.xlane v3, v2;
	_ =	sdelay $0x1  }
0x170: {  	v3 =	vadd.s32 v1, v3  }
0x171: {  	[tilespmem:s25], [sflag:$0x2] =	stream.indirect_vreg.gather [hbm4b:s2+s4], $0x80, v4, vm0, $0xb8;
	[tilespmem:$0x10400] =	vst v63  }
0x172: {  	_ = 	snop  }
0x173: {  	[tilespmem:s22], [sflag:$0x2] =	stream.indirect_vreg.gather [hbm4b:s6+s4], $0x80, v4, vm0, $0xb8;
	[tilespmem:$0x10400] =	vst v63  }
0x174: {  	_ = 	snop  }
0x175: {  	[tilespmem:s23], [sflag:$0x2] =	stream.indirect_vreg.gather [hbm4b:s2+s4], $0x80, v3, vm0, $0xb8;
	[tilespmem:$0x10400] =	vst v63  }
0x176: {  	_ = 	snop  }
0x177: {  	[tilespmem:s0], [sflag:$0x2] =	stream.indirect_vreg.gather [hbm4b:s6+s4], $0x80, v3, vm0, $0xb8;
	[tilespmem:$0x10400] =	vst v63  }
0x178: {  	v3 =	vld [tilespmem:$0x110];
	_ =	sdelay $0x4  }
0x179: {  	v21 =	vshll.u32 v3, $0x2  }
0x17a: {  	v3 =	vand.u32 $0x7, v3;
	v4 =	vand.u32 $0xFFFFFFE0, v21  }
0x17b: {  	v3 =	vor.u32 v3, v4  }
0x17c: {  	v4 =	vperm.xlane v3, v0;
	_ =	sdelay $0x1  }
0x17d: {  	v4 =	vadd.s32 v1, v4;
	_ =	sdelay $0x1  }
0x17e: {  	v3 =	vperm.xlane v3, v2;
	_ =	sdelay $0x1  }
0x17f: {  	s30 =	simm.s32 $0xA400;
	v3 =	vadd.s32 v1, v3  }
0x180: {  	[tilespmem:s30], [sflag:$0x2] =	stream.indirect_vreg.gather [hbm4b:s2+s4], $0x80, v4, vm0, $0xb8;
	[tilespmem:$0x10400] =	vst v63  }
0x181: {  	s7 =	simm.s32 $0xAC00  }
0x182: {  	[tilespmem:s7], [sflag:$0x2] =	stream.indirect_vreg.gather [hbm4b:s6+s4], $0x80, v4, vm0, $0xb8;
	[tilespmem:$0x10400] =	vst v63  }
0x183: {  	s10 =	simm.s32 $0xB400  }
0x184: {  	[tilespmem:s10], [sflag:$0x2] =	stream.indirect_vreg.gather [hbm4b:s2+s4], $0x80, v3, vm0, $0xb8;
	[tilespmem:$0x10400] =	vst v63  }
0x185: {  	s20 =	simm.s32 $0xBC00  }
0x186: {  	[tilespmem:s20], [sflag:$0x2] =	stream.indirect_vreg.gather [hbm4b:s6+s4], $0x80, v3, vm0, $0xb8;
	[tilespmem:$0x10400] =	vst v63  }
0x187: {  	v3 =	vld [tilespmem:$0x120];
	_ =	sdelay $0x4  }
0x188: {  	v22 =	vshll.u32 v3, $0x2  }
0x189: {  	v3 =	vand.u32 $0x7, v3;
	v4 =	vand.u32 $0xFFFFFFE0, v22  }
0x18a: {  	v3 =	vor.u32 v3, v4  }
0x18b: {  	v4 =	vperm.xlane v3, v0;
	_ =	sdelay $0x1  }
0x18c: {  	v4 =	vadd.s32 v1, v4;
	_ =	sdelay $0x1  }
0x18d: {  	v3 =	vperm.xlane v3, v2;
	_ =	sdelay $0x1  }
0x18e: {  	s11 =	simm.s32 $0xC400;
	v3 =	vadd.s32 v1, v3  }
0x18f: {  	[tilespmem:s11], [sflag:$0x2] =	stream.indirect_vreg.gather [hbm4b:s2+s4], $0x80, v4, vm0, $0xb8;
	[tilespmem:$0x10400] =	vst v63  }
0x190: {  	s12 =	simm.s32 $0xCC00  }
0x191: {  	[tilespmem:s12], [sflag:$0x2] =	stream.indirect_vreg.gather [hbm4b:s6+s4], $0x80, v4, vm0, $0xb8;
	[tilespmem:$0x10400] =	vst v63  }
0x192: {  	s13 =	simm.s32 $0xD400  }
0x193: {  	[tilespmem:s13], [sflag:$0x2] =	stream.indirect_vreg.gather [hbm4b:s2+s4], $0x80, v3, vm0, $0xb8;
	[tilespmem:$0x10400] =	vst v63  }
0x194: {  	s28 =	simm.s32 $0xDC00  }
0x195: {  	[tilespmem:s28], [sflag:$0x2] =	stream.indirect_vreg.gather [hbm4b:s6+s4], $0x80, v3, vm0, $0xb8;
	[tilespmem:$0x10400] =	vst v63  }
0x196: {  	v3 =	vld [tilespmem:$0x130];
	_ =	sdelay $0x4  }
0x197: {  	v23 =	vshll.u32 v3, $0x2  }
0x198: {  	v3 =	vand.u32 $0x7, v3;
	v4 =	vand.u32 $0xFFFFFFE0, v23  }
0x199: {  	v3 =	vor.u32 v3, v4  }
0x19a: {  	v4 =	vperm.xlane v3, v0;
	_ =	sdelay $0x1  }
0x19b: {  	v4 =	vadd.s32 v1, v4;
	_ =	sdelay $0x1  }
0x19c: {  	v3 =	vperm.xlane v3, v2;
	_ =	sdelay $0x1  }
0x19d: {  	s14 =	simm.s32 $0xE400;
	v3 =	vadd.s32 v1, v3  }
0x19e: {  	[tilespmem:s14], [sflag:$0x2] =	stream.indirect_vreg.gather [hbm4b:s2+s4], $0x80, v4, vm0, $0xb8;
	[tilespmem:$0x10400] =	vst v63  }
0x19f: {  	s24 =	simm.s32 $0xEC00  }
0x1a0: {  	[tilespmem:s24], [sflag:$0x2] =	stream.indirect_vreg.gather [hbm4b:s6+s4], $0x80, v4, vm0, $0xb8;
	[tilespmem:$0x10400] =	vst v63  }
0x1a1: {  	s26 =	simm.s32 $0xF400  }
0x1a2: {  	[tilespmem:s26], [sflag:$0x2] =	stream.indirect_vreg.gather [hbm4b:s2+s4], $0x80, v3, vm0, $0xb8;
	[tilespmem:$0x10400] =	vst v63  }
0x1a3: {  	s29 =	simm.s32 $0xFC00  }
0x1a4: {  	[tilespmem:s29], [sflag:$0x2] =	stream.indirect_vreg.gather [hbm4b:s6+s4], $0x80, v3, vm0, $0xb8;
	[tilespmem:$0x10400] =	vst v63  }
0x1a5: {  	_ =	swait.ge [sflag:s18], $0x8000  }
0x1a6: {  	[sflag:s18] =	ssyncset.done $0x0  }
0x1a7: {  	s20 =	rddreg [dreg:$0xa];
	[sflag:s18] =	ssyncadd.s32 $0xFFFF8000  }
0x1a8: {  	[hbm4b:s20+s4] =	stream.linear.scatter [tilespmem:s3], [sflag:$0x3], $0x8000, $0x38;
	[tilespmem:$0x10400] =	vst v63  }
0x1a9: {  	_ =	swait.ge [sflag:s8], $0x8000  }
0x1aa: {  	[sflag:s8] =	ssyncset.done $0x0  }
0x1ab: {  	[sflag:s8] =	ssyncadd.s32 $0xFFFF8000  }
0x1ac: {  	_ =	swait.ge [sflag:s19], $0x8000  }
0x1ad: {  	[sflag:s19] =	ssyncset.done $0x0  }
0x1ae: {  	s20 =	rddreg [dreg:$0xb];
	[sflag:s19] =	ssyncadd.s32 $0xFFFF8000  }
0x1af: {  	[hbm4b:s20+s4] =	stream.linear.scatter [tilespmem:s25], [sflag:$0x3], $0x8000, $0x38;
	[tilespmem:$0x10400] =	vst v63  }
0x1b0: {  	_ =	swait.ge [sflag:s8], $0x8000  }
0x1b1: {  	[sflag:s8] =	ssyncset.done $0x0  }
0x1b2: {  	[sflag:s8] =	ssyncadd.s32 $0xFFFF8000  }
0x1b3: {  	v3 =	vld [tilespmem:$0x180];
	_ =	sdelay $0x4  }
0x1b4: {  	v24 =	vshll.u32 v3, $0x2  }
0x1b5: {  	v3 =	vand.u32 $0x7, v3;
	v4 =	vand.u32 $0xFFFFFFE0, v24  }
0x1b6: {  	v3 =	vor.u32 v3, v4  }
0x1b7: {  	v4 =	vperm.xlane v3, v0;
	_ =	sdelay $0x1  }
0x1b8: {  	v4 =	vadd.s32 v1, v4;
	_ =	sdelay $0x1  }
0x1b9: {  	v3 =	vperm.xlane v3, v2;
	_ =	sdelay $0x1  }
0x1ba: {  	v3 =	vadd.s32 v1, v3  }
0x1bb: {  	[tilespmem:s3], [sflag:$0x1] =	stream.indirect_vreg.gather [hbm4b:s1+s4], $0x80, v4, vm0, $0xb8;
	[tilespmem:$0x10400] =	vst v63  }
0x1bc: {  	s20 =	simm.s32 $0xC00  }
0x1bd: {  	[tilespmem:s20], [sflag:$0x1] =	stream.indirect_vreg.gather [hbm4b:s5+s4], $0x80, v4, vm0, $0xb8;
	[tilespmem:$0x10400] =	vst v63  }
0x1be: {  	s20 =	simm.s32 $0x1400  }
0x1bf: {  	[tilespmem:s20], [sflag:$0x1] =	stream.indirect_vreg.gather [hbm4b:s1+s4], $0x80, v3, vm0, $0xb8;
	[tilespmem:$0x10400] =	vst v63  }
0x1c0: {  	s20 =	simm.s32 $0x1C00  }
0x1c1: {  	[tilespmem:s20], [sflag:$0x1] =	stream.indirect_vreg.gather [hbm4b:s5+s4], $0x80, v3, vm0, $0xb8;
	[tilespmem:$0x10400] =	vst v63  }
0x1c2: {  	v3 =	vld [tilespmem:$0x190];
	_ =	sdelay $0x4  }
0x1c3: {  	v25 =	vshll.u32 v3, $0x2  }
0x1c4: {  	v3 =	vand.u32 $0x7, v3;
	v4 =	vand.u32 $0xFFFFFFE0, v25  }
0x1c5: {  	v3 =	vor.u32 v3, v4  }
0x1c6: {  	v4 =	vperm.xlane v3, v0;
	_ =	sdelay $0x1  }
0x1c7: {  	v4 =	vadd.s32 v1, v4;
	_ =	sdelay $0x1  }
0x1c8: {  	v3 =	vperm.xlane v3, v2;
	_ =	sdelay $0x1  }
0x1c9: {  	s20 =	simm.s32 $0x2400;
	v3 =	vadd.s32 v1, v3  }
0x1ca: {  	[tilespmem:s20], [sflag:$0x1] =	stream.indirect_vreg.gather [hbm4b:s1+s4], $0x80, v4, vm0, $0xb8;
	[tilespmem:$0x10400] =	vst v63  }
0x1cb: {  	s20 =	simm.s32 $0x2C00  }
0x1cc: {  	[tilespmem:s20], [sflag:$0x1] =	stream.indirect_vreg.gather [hbm4b:s5+s4], $0x80, v4, vm0, $0xb8;
	[tilespmem:$0x10400] =	vst v63  }
0x1cd: {  	s20 =	simm.s32 $0x3400  }
0x1ce: {  	[tilespmem:s20], [sflag:$0x1] =	stream.indirect_vreg.gather [hbm4b:s1+s4], $0x80, v3, vm0, $0xb8;
	[tilespmem:$0x10400] =	vst v63  }
0x1cf: {  	s20 =	simm.s32 $0x3C00  }
0x1d0: {  	[tilespmem:s20], [sflag:$0x1] =	stream.indirect_vreg.gather [hbm4b:s5+s4], $0x80, v3, vm0, $0xb8;
	[tilespmem:$0x10400] =	vst v63  }
0x1d1: {  	v3 =	vld [tilespmem:$0x1A0];
	_ =	sdelay $0x4  }
0x1d2: {  	v26 =	vshll.u32 v3, $0x2  }
0x1d3: {  	v3 =	vand.u32 $0x7, v3;
	v4 =	vand.u32 $0xFFFFFFE0, v26  }
0x1d4: {  	v3 =	vor.u32 v3, v4  }
0x1d5: {  	v4 =	vperm.xlane v3, v0;
	_ =	sdelay $0x1  }
0x1d6: {  	v4 =	vadd.s32 v1, v4;
	_ =	sdelay $0x1  }
0x1d7: {  	v3 =	vperm.xlane v3, v2;
	_ =	sdelay $0x1  }
0x1d8: {  	s20 =	simm.s32 $0x4400;
	v3 =	vadd.s32 v1, v3  }
0x1d9: {  	[tilespmem:s20], [sflag:$0x1] =	stream.indirect_vreg.gather [hbm4b:s1+s4], $0x80, v4, vm0, $0xb8;
	[tilespmem:$0x10400] =	vst v63  }
0x1da: {  	s20 =	simm.s32 $0x4C00  }
0x1db: {  	[tilespmem:s20], [sflag:$0x1] =	stream.indirect_vreg.gather [hbm4b:s5+s4], $0x80, v4, vm0, $0xb8;
	[tilespmem:$0x10400] =	vst v63  }
0x1dc: {  	s9 =	simm.s32 $0x5400  }
0x1dd: {  	[tilespmem:s9], [sflag:$0x1] =	stream.indirect_vreg.gather [hbm4b:s1+s4], $0x80, v3, vm0, $0xb8;
	[tilespmem:$0x10400] =	vst v63  }
0x1de: {  	s15 =	simm.s32 $0x5C00  }
0x1df: {  	[tilespmem:s15], [sflag:$0x1] =	stream.indirect_vreg.gather [hbm4b:s5+s4], $0x80, v3, vm0, $0xb8;
	[tilespmem:$0x10400] =	vst v63  }
0x1e0: {  	v3 =	vld [tilespmem:$0x1B0];
	_ =	sdelay $0x4  }
0x1e1: {  	v27 =	vshll.u32 v3, $0x2  }
0x1e2: {  	v3 =	vand.u32 $0x7, v3;
	v4 =	vand.u32 $0xFFFFFFE0, v27  }
0x1e3: {  	v3 =	vor.u32 v3, v4  }
0x1e4: {  	v4 =	vperm.xlane v3, v0;
	_ =	sdelay $0x1  }
0x1e5: {  	v4 =	vadd.s32 v1, v4;
	_ =	sdelay $0x1  }
0x1e6: {  	v3 =	vperm.xlane v3, v2;
	_ =	sdelay $0x1  }
0x1e7: {  	s16 =	simm.s32 $0x6400;
	v3 =	vadd.s32 v1, v3  }
0x1e8: {  	[tilespmem:s16], [sflag:$0x1] =	stream.indirect_vreg.gather [hbm4b:s1+s4], $0x80, v4, vm0, $0xb8;
	[tilespmem:$0x10400] =	vst v63  }
0x1e9: {  	s17 =	simm.s32 $0x6C00  }
0x1ea: {  	[tilespmem:s17], [sflag:$0x1] =	stream.indirect_vreg.gather [hbm4b:s5+s4], $0x80, v4, vm0, $0xb8;
	[tilespmem:$0x10400] =	vst v63  }
0x1eb: {  	s21 =	simm.s32 $0x7400  }
0x1ec: {  	[tilespmem:s21], [sflag:$0x1] =	stream.indirect_vreg.gather [hbm4b:s1+s4], $0x80, v3, vm0, $0xb8;
	[tilespmem:$0x10400] =	vst v63  }
0x1ed: {  	s31 =	simm.s32 $0x7C00  }
0x1ee: {  	[tilespmem:s31], [sflag:$0x1] =	stream.indirect_vreg.gather [hbm4b:s5+s4], $0x80, v3, vm0, $0xb8;
	[tilespmem:$0x10400] =	vst v63  }
0x1ef: {  	v3 =	vld [tilespmem:$0x180];
	_ =	sdelay $0x4  }
0x1f0: {  	v28 =	vshll.u32 v3, $0x2  }
0x1f1: {  	v3 =	vand.u32 $0x7, v3;
	v4 =	vand.u32 $0xFFFFFFE0, v28  }
0x1f2: {  	v3 =	vor.u32 v3, v4  }
0x1f3: {  	v4 =	vperm.xlane v3, v0;
	_ =	sdelay $0x1  }
0x1f4: {  	v4 =	vadd.s32 v1, v4;
	_ =	sdelay $0x1  }
0x1f5: {  	v3 =	vperm.xlane v3, v2;
	_ =	sdelay $0x1  }
0x1f6: {  	v3 =	vadd.s32 v1, v3  }
0x1f7: {  	[tilespmem:s25], [sflag:$0x2] =	stream.indirect_vreg.gather [hbm4b:s2+s4], $0x80, v4, vm0, $0xb8;
	[tilespmem:$0x10400] =	vst v63  }
0x1f8: {  	s22 =	simm.s32 $0x8C00  }
0x1f9: {  	[tilespmem:s22], [sflag:$0x2] =	stream.indirect_vreg.gather [hbm4b:s6+s4], $0x80, v4, vm0, $0xb8;
	[tilespmem:$0x10400] =	vst v63  }
0x1fa: {  	s23 =	simm.s32 $0x9400  }
0x1fb: {  	[tilespmem:s23], [sflag:$0x2] =	stream.indirect_vreg.gather [hbm4b:s2+s4], $0x80, v3, vm0, $0xb8;
	[tilespmem:$0x10400] =	vst v63  }
0x1fc: {  	s0 =	simm.s32 $0x9C00  }
0x1fd: {  	[tilespmem:s0], [sflag:$0x2] =	stream.indirect_vreg.gather [hbm4b:s6+s4], $0x80, v3, vm0, $0xb8;
	[tilespmem:$0x10400] =	vst v63  }
0x1fe: {  	v3 =	vld [tilespmem:$0x190];
	_ =	sdelay $0x4  }
0x1ff: {  	v29 =	vshll.u32 v3, $0x2  }
0x200: {  	v3 =	vand.u32 $0x7, v3;
	v4 =	vand.u32 $0xFFFFFFE0, v29  }
0x201: {  	v3 =	vor.u32 v3, v4  }
0x202: {  	v4 =	vperm.xlane v3, v0;
	_ =	sdelay $0x1  }
0x203: {  	v4 =	vadd.s32 v1, v4;
	_ =	sdelay $0x1  }
0x204: {  	v3 =	vperm.xlane v3, v2;
	_ =	sdelay $0x1  }
0x205: {  	s30 =	simm.s32 $0xA400;
	v3 =	vadd.s32 v1, v3  }
0x206: {  	[tilespmem:s30], [sflag:$0x2] =	stream.indirect_vreg.gather [hbm4b:s2+s4], $0x80, v4, vm0, $0xb8;
	[tilespmem:$0x10400] =	vst v63  }
0x207: {  	s7 =	simm.s32 $0xAC00  }
0x208: {  	[tilespmem:s7], [sflag:$0x2] =	stream.indirect_vreg.gather [hbm4b:s6+s4], $0x80, v4, vm0, $0xb8;
	[tilespmem:$0x10400] =	vst v63  }
0x209: {  	s10 =	simm.s32 $0xB400  }
0x20a: {  	[tilespmem:s10], [sflag:$0x2] =	stream.indirect_vreg.gather [hbm4b:s2+s4], $0x80, v3, vm0, $0xb8;
	[tilespmem:$0x10400] =	vst v63  }
0x20b: {  	s30 =	simm.s32 $0xBC00  }
0x20c: {  	[tilespmem:s30], [sflag:$0x2] =	stream.indirect_vreg.gather [hbm4b:s6+s4], $0x80, v3, vm0, $0xb8;
	[tilespmem:$0x10400] =	vst v63  }
0x20d: {  	v3 =	vld [tilespmem:$0x1A0];
	_ =	sdelay $0x4  }
0x20e: {  	v30 =	vshll.u32 v3, $0x2  }
0x20f: {  	v3 =	vand.u32 $0x7, v3;
	v4 =	vand.u32 $0xFFFFFFE0, v30  }
0x210: {  	v3 =	vor.u32 v3, v4  }
0x211: {  	v4 =	vperm.xlane v3, v0;
	_ =	sdelay $0x1  }
0x212: {  	v4 =	vadd.s32 v1, v4;
	_ =	sdelay $0x1  }
0x213: {  	v3 =	vperm.xlane v3, v2;
	_ =	sdelay $0x1  }
0x214: {  	s11 =	simm.s32 $0xC400;
	v3 =	vadd.s32 v1, v3  }
0x215: {  	[tilespmem:s11], [sflag:$0x2] =	stream.indirect_vreg.gather [hbm4b:s2+s4], $0x80, v4, vm0, $0xb8;
	[tilespmem:$0x10400] =	vst v63  }
0x216: {  	s12 =	simm.s32 $0xCC00  }
0x217: {  	[tilespmem:s12], [sflag:$0x2] =	stream.indirect_vreg.gather [hbm4b:s6+s4], $0x80, v4, vm0, $0xb8;
	[tilespmem:$0x10400] =	vst v63  }
0x218: {  	s13 =	simm.s32 $0xD400  }
0x219: {  	[tilespmem:s13], [sflag:$0x2] =	stream.indirect_vreg.gather [hbm4b:s2+s4], $0x80, v3, vm0, $0xb8;
	[tilespmem:$0x10400] =	vst v63  }
0x21a: {  	s28 =	simm.s32 $0xDC00  }
0x21b: {  	[tilespmem:s28], [sflag:$0x2] =	stream.indirect_vreg.gather [hbm4b:s6+s4], $0x80, v3, vm0, $0xb8;
	[tilespmem:$0x10400] =	vst v63  }
0x21c: {  	v3 =	vld [tilespmem:$0x1B0];
	_ =	sdelay $0x4  }
0x21d: {  	v31 =	vshll.u32 v3, $0x2  }
0x21e: {  	v3 =	vand.u32 $0x7, v3;
	v4 =	vand.u32 $0xFFFFFFE0, v31  }
0x21f: {  	v3 =	vor.u32 v3, v4  }
0x220: {  	v4 =	vperm.xlane v3, v0;
	_ =	sdelay $0x1  }
0x221: {  	v4 =	vadd.s32 v1, v4;
	_ =	sdelay $0x1  }
0x222: {  	v3 =	vperm.xlane v3, v2;
	_ =	sdelay $0x1  }
0x223: {  	s14 =	simm.s32 $0xE400;
	v3 =	vadd.s32 v1, v3  }
0x224: {  	[tilespmem:s14], [sflag:$0x2] =	stream.indirect_vreg.gather [hbm4b:s2+s4], $0x80, v4, vm0, $0xb8;
	[tilespmem:$0x10400] =	vst v63  }
0x225: {  	s24 =	simm.s32 $0xEC00  }
0x226: {  	[tilespmem:s24], [sflag:$0x2] =	stream.indirect_vreg.gather [hbm4b:s6+s4], $0x80, v4, vm0, $0xb8;
	[tilespmem:$0x10400] =	vst v63  }
0x227: {  	s26 =	simm.s32 $0xF400  }
0x228: {  	[tilespmem:s26], [sflag:$0x2] =	stream.indirect_vreg.gather [hbm4b:s2+s4], $0x80, v3, vm0, $0xb8;
	[tilespmem:$0x10400] =	vst v63  }
0x229: {  	s29 =	simm.s32 $0xFC00  }
0x22a: {  	[tilespmem:s29], [sflag:$0x2] =	stream.indirect_vreg.gather [hbm4b:s6+s4], $0x80, v3, vm0, $0xb8;
	[tilespmem:$0x10400] =	vst v63  }
0x22b: {  	_ =	swait.ge [sflag:s18], $0x8000  }
0x22c: {  	[sflag:s18] =	ssyncset.done $0x0  }
0x22d: {  	s20 =	rddreg [dreg:$0xc];
	[sflag:s18] =	ssyncadd.s32 $0xFFFF8000  }
0x22e: {  	[hbm4b:s20+s4] =	stream.linear.scatter [tilespmem:s3], [sflag:$0x3], $0x8000, $0x38;
	[tilespmem:$0x10400] =	vst v63  }
0x22f: {  	_ =	swait.ge [sflag:s8], $0x8000  }
0x230: {  	[sflag:s8] =	ssyncset.done $0x0  }
0x231: {  	[sflag:s8] =	ssyncadd.s32 $0xFFFF8000  }
0x232: {  	_ =	swait.ge [sflag:s19], $0x8000  }
0x233: {  	[sflag:s19] =	ssyncset.done $0x0  }
0x234: {  	s20 =	rddreg [dreg:$0xd];
	[sflag:s19] =	ssyncadd.s32 $0xFFFF8000  }
0x235: {  	[hbm4b:s20+s4] =	stream.linear.scatter [tilespmem:s25], [sflag:$0x3], $0x8000, $0x38;
	[tilespmem:$0x10400] =	vst v63  }
0x236: {  	_ =	swait.ge [sflag:s8], $0x8000  }
0x237: {  	[sflag:s8] =	ssyncset.done $0x0  }
0x238: {  	[sflag:s8] =	ssyncadd.s32 $0xFFFF8000  }
0x239: {  	v3 =	vld [tilespmem:$0x200];
	_ =	sdelay $0x4  }
0x23a: {  	v32 =	vshll.u32 v3, $0x2  }
0x23b: {  	v3 =	vand.u32 $0x7, v3;
	v4 =	vand.u32 $0xFFFFFFE0, v32  }
0x23c: {  	v3 =	vor.u32 v3, v4  }
0x23d: {  	v4 =	vperm.xlane v3, v0;
	_ =	sdelay $0x1  }
0x23e: {  	v4 =	vadd.s32 v1, v4;
	_ =	sdelay $0x1  }
0x23f: {  	v3 =	vperm.xlane v3, v2;
	_ =	sdelay $0x1  }
0x240: {  	v3 =	vadd.s32 v1, v3  }
0x241: {  	[tilespmem:s3], [sflag:$0x1] =	stream.indirect_vreg.gather [hbm4b:s1+s4], $0x80, v4, vm0, $0xb8;
	[tilespmem:$0x10400] =	vst v63  }
0x242: {  	s20 =	simm.s32 $0xC00  }
0x243: {  	[tilespmem:s20], [sflag:$0x1] =	stream.indirect_vreg.gather [hbm4b:s5+s4], $0x80, v4, vm0, $0xb8;
	[tilespmem:$0x10400] =	vst v63  }
0x244: {  	s20 =	simm.s32 $0x1400  }
0x245: {  	[tilespmem:s20], [sflag:$0x1] =	stream.indirect_vreg.gather [hbm4b:s1+s4], $0x80, v3, vm0, $0xb8;
	[tilespmem:$0x10400] =	vst v63  }
0x246: {  	s20 =	simm.s32 $0x1C00  }
0x247: {  	[tilespmem:s20], [sflag:$0x1] =	stream.indirect_vreg.gather [hbm4b:s5+s4], $0x80, v3, vm0, $0xb8;
	[tilespmem:$0x10400] =	vst v63  }
0x248: {  	v3 =	vld [tilespmem:$0x210];
	_ =	sdelay $0x4  }
0x249: {  	v33 =	vshll.u32 v3, $0x2  }
0x24a: {  	v3 =	vand.u32 $0x7, v3;
	v4 =	vand.u32 $0xFFFFFFE0, v33  }
0x24b: {  	v3 =	vor.u32 v3, v4  }
0x24c: {  	v4 =	vperm.xlane v3, v0;
	_ =	sdelay $0x1  }
0x24d: {  	v4 =	vadd.s32 v1, v4;
	_ =	sdelay $0x1  }
0x24e: {  	v3 =	vperm.xlane v3, v2;
	_ =	sdelay $0x1  }
0x24f: {  	s20 =	simm.s32 $0x2400;
	v3 =	vadd.s32 v1, v3  }
0x250: {  	[tilespmem:s20], [sflag:$0x1] =	stream.indirect_vreg.gather [hbm4b:s1+s4], $0x80, v4, vm0, $0xb8;
	[tilespmem:$0x10400] =	vst v63  }
0x251: {  	s20 =	simm.s32 $0x2C00  }
0x252: {  	[tilespmem:s20], [sflag:$0x1] =	stream.indirect_vreg.gather [hbm4b:s5+s4], $0x80, v4, vm0, $0xb8;
	[tilespmem:$0x10400] =	vst v63  }
0x253: {  	s20 =	simm.s32 $0x3400  }
0x254: {  	[tilespmem:s20], [sflag:$0x1] =	stream.indirect_vreg.gather [hbm4b:s1+s4], $0x80, v3, vm0, $0xb8;
	[tilespmem:$0x10400] =	vst v63  }
0x255: {  	s20 =	simm.s32 $0x3C00  }
0x256: {  	[tilespmem:s20], [sflag:$0x1] =	stream.indirect_vreg.gather [hbm4b:s5+s4], $0x80, v3, vm0, $0xb8;
	[tilespmem:$0x10400] =	vst v63  }
0x257: {  	v3 =	vld [tilespmem:$0x220];
	_ =	sdelay $0x4  }
0x258: {  	v34 =	vshll.u32 v3, $0x2  }
0x259: {  	v3 =	vand.u32 $0x7, v3;
	v4 =	vand.u32 $0xFFFFFFE0, v34  }
0x25a: {  	v3 =	vor.u32 v3, v4  }
0x25b: {  	v4 =	vperm.xlane v3, v0;
	_ =	sdelay $0x1  }
0x25c: {  	v4 =	vadd.s32 v1, v4;
	_ =	sdelay $0x1  }
0x25d: {  	v3 =	vperm.xlane v3, v2;
	_ =	sdelay $0x1  }
0x25e: {  	s20 =	simm.s32 $0x4400;
	v3 =	vadd.s32 v1, v3  }
0x25f: {  	[tilespmem:s20], [sflag:$0x1] =	stream.indirect_vreg.gather [hbm4b:s1+s4], $0x80, v4, vm0, $0xb8;
	[tilespmem:$0x10400] =	vst v63  }
0x260: {  	s20 =	simm.s32 $0x4C00  }
0x261: {  	[tilespmem:s20], [sflag:$0x1] =	stream.indirect_vreg.gather [hbm4b:s5+s4], $0x80, v4, vm0, $0xb8;
	[tilespmem:$0x10400] =	vst v63  }
0x262: {  	s9 =	simm.s32 $0x5400  }
0x263: {  	[tilespmem:s9], [sflag:$0x1] =	stream.indirect_vreg.gather [hbm4b:s1+s4], $0x80, v3, vm0, $0xb8;
	[tilespmem:$0x10400] =	vst v63  }
0x264: {  	s15 =	simm.s32 $0x5C00  }
0x265: {  	[tilespmem:s15], [sflag:$0x1] =	stream.indirect_vreg.gather [hbm4b:s5+s4], $0x80, v3, vm0, $0xb8;
	[tilespmem:$0x10400] =	vst v63  }
0x266: {  	v3 =	vld [tilespmem:$0x230];
	_ =	sdelay $0x4  }
0x267: {  	v35 =	vshll.u32 v3, $0x2  }
0x268: {  	v3 =	vand.u32 $0x7, v3;
	v4 =	vand.u32 $0xFFFFFFE0, v35  }
0x269: {  	v3 =	vor.u32 v3, v4  }
0x26a: {  	v4 =	vperm.xlane v3, v0;
	_ =	sdelay $0x1  }
0x26b: {  	v4 =	vadd.s32 v1, v4;
	_ =	sdelay $0x1  }
0x26c: {  	v3 =	vperm.xlane v3, v2;
	_ =	sdelay $0x1  }
0x26d: {  	s16 =	simm.s32 $0x6400;
	v3 =	vadd.s32 v1, v3  }
0x26e: {  	[tilespmem:s16], [sflag:$0x1] =	stream.indirect_vreg.gather [hbm4b:s1+s4], $0x80, v4, vm0, $0xb8;
	[tilespmem:$0x10400] =	vst v63  }
0x26f: {  	s17 =	simm.s32 $0x6C00  }
0x270: {  	[tilespmem:s17], [sflag:$0x1] =	stream.indirect_vreg.gather [hbm4b:s5+s4], $0x80, v4, vm0, $0xb8;
	[tilespmem:$0x10400] =	vst v63  }
0x271: {  	s21 =	simm.s32 $0x7400  }
0x272: {  	[tilespmem:s21], [sflag:$0x1] =	stream.indirect_vreg.gather [hbm4b:s1+s4], $0x80, v3, vm0, $0xb8;
	[tilespmem:$0x10400] =	vst v63  }
0x273: {  	s20 =	simm.s32 $0x7C00  }
0x274: {  	[tilespmem:s20], [sflag:$0x1] =	stream.indirect_vreg.gather [hbm4b:s5+s4], $0x80, v3, vm0, $0xb8;
	[tilespmem:$0x10400] =	vst v63  }
0x275: {  	v3 =	vld [tilespmem:$0x200];
	_ =	sdelay $0x4  }
0x276: {  	v36 =	vshll.u32 v3, $0x2  }
0x277: {  	v3 =	vand.u32 $0x7, v3;
	v4 =	vand.u32 $0xFFFFFFE0, v36  }
0x278: {  	v3 =	vor.u32 v3, v4  }
0x279: {  	v4 =	vperm.xlane v3, v0;
	_ =	sdelay $0x1  }
0x27a: {  	v4 =	vadd.s32 v1, v4;
	_ =	sdelay $0x1  }
0x27b: {  	v3 =	vperm.xlane v3, v2;
	_ =	sdelay $0x1  }
0x27c: {  	v3 =	vadd.s32 v1, v3  }
0x27d: {  	[tilespmem:s25], [sflag:$0x2] =	stream.indirect_vreg.gather [hbm4b:s2+s4], $0x80, v4, vm0, $0xb8;
	[tilespmem:$0x10400] =	vst v63  }
0x27e: {  	s22 =	simm.s32 $0x8C00  }
0x27f: {  	[tilespmem:s22], [sflag:$0x2] =	stream.indirect_vreg.gather [hbm4b:s6+s4], $0x80, v4, vm0, $0xb8;
	[tilespmem:$0x10400] =	vst v63  }
0x280: {  	s23 =	simm.s32 $0x9400  }
0x281: {  	[tilespmem:s23], [sflag:$0x2] =	stream.indirect_vreg.gather [hbm4b:s2+s4], $0x80, v3, vm0, $0xb8;
	[tilespmem:$0x10400] =	vst v63  }
0x282: {  	s0 =	simm.s32 $0x9C00  }
0x283: {  	[tilespmem:s0], [sflag:$0x2] =	stream.indirect_vreg.gather [hbm4b:s6+s4], $0x80, v3, vm0, $0xb8;
	[tilespmem:$0x10400] =	vst v63  }
0x284: {  	v3 =	vld [tilespmem:$0x210];
	_ =	sdelay $0x4  }
0x285: {  	v37 =	vshll.u32 v3, $0x2  }
0x286: {  	v3 =	vand.u32 $0x7, v3;
	v4 =	vand.u32 $0xFFFFFFE0, v37  }
0x287: {  	v3 =	vor.u32 v3, v4  }
0x288: {  	v4 =	vperm.xlane v3, v0;
	_ =	sdelay $0x1  }
0x289: {  	v4 =	vadd.s32 v1, v4;
	_ =	sdelay $0x1  }
0x28a: {  	v3 =	vperm.xlane v3, v2;
	_ =	sdelay $0x1  }
0x28b: {  	s31 =	simm.s32 $0xA400;
	v3 =	vadd.s32 v1, v3  }
0x28c: {  	[tilespmem:s31], [sflag:$0x2] =	stream.indirect_vreg.gather [hbm4b:s2+s4], $0x80, v4, vm0, $0xb8;
	[tilespmem:$0x10400] =	vst v63  }
0x28d: {  	s7 =	simm.s32 $0xAC00  }
0x28e: {  	[tilespmem:s7], [sflag:$0x2] =	stream.indirect_vreg.gather [hbm4b:s6+s4], $0x80, v4, vm0, $0xb8;
	[tilespmem:$0x10400] =	vst v63  }
0x28f: {  	s10 =	simm.s32 $0xB400  }
0x290: {  	[tilespmem:s10], [sflag:$0x2] =	stream.indirect_vreg.gather [hbm4b:s2+s4], $0x80, v3, vm0, $0xb8;
	[tilespmem:$0x10400] =	vst v63  }
0x291: {  	s30 =	simm.s32 $0xBC00  }
0x292: {  	[tilespmem:s30], [sflag:$0x2] =	stream.indirect_vreg.gather [hbm4b:s6+s4], $0x80, v3, vm0, $0xb8;
	[tilespmem:$0x10400] =	vst v63  }
0x293: {  	v3 =	vld [tilespmem:$0x220];
	_ =	sdelay $0x4  }
0x294: {  	v38 =	vshll.u32 v3, $0x2  }
0x295: {  	v3 =	vand.u32 $0x7, v3;
	v4 =	vand.u32 $0xFFFFFFE0, v38  }
0x296: {  	v3 =	vor.u32 v3, v4  }
0x297: {  	v4 =	vperm.xlane v3, v0;
	_ =	sdelay $0x1  }
0x298: {  	v4 =	vadd.s32 v1, v4;
	_ =	sdelay $0x1  }
0x299: {  	v3 =	vperm.xlane v3, v2;
	_ =	sdelay $0x1  }
0x29a: {  	s11 =	simm.s32 $0xC400;
	v3 =	vadd.s32 v1, v3  }
0x29b: {  	[tilespmem:s11], [sflag:$0x2] =	stream.indirect_vreg.gather [hbm4b:s2+s4], $0x80, v4, vm0, $0xb8;
	[tilespmem:$0x10400] =	vst v63  }
0x29c: {  	s12 =	simm.s32 $0xCC00  }
0x29d: {  	[tilespmem:s12], [sflag:$0x2] =	stream.indirect_vreg.gather [hbm4b:s6+s4], $0x80, v4, vm0, $0xb8;
	[tilespmem:$0x10400] =	vst v63  }
0x29e: {  	s13 =	simm.s32 $0xD400  }
0x29f: {  	[tilespmem:s13], [sflag:$0x2] =	stream.indirect_vreg.gather [hbm4b:s2+s4], $0x80, v3, vm0, $0xb8;
	[tilespmem:$0x10400] =	vst v63  }
0x2a0: {  	s28 =	simm.s32 $0xDC00  }
0x2a1: {  	[tilespmem:s28], [sflag:$0x2] =	stream.indirect_vreg.gather [hbm4b:s6+s4], $0x80, v3, vm0, $0xb8;
	[tilespmem:$0x10400] =	vst v63  }
0x2a2: {  	v3 =	vld [tilespmem:$0x230];
	_ =	sdelay $0x4  }
0x2a3: {  	v39 =	vshll.u32 v3, $0x2  }
0x2a4: {  	v3 =	vand.u32 $0x7, v3;
	v4 =	vand.u32 $0xFFFFFFE0, v39  }
0x2a5: {  	v3 =	vor.u32 v3, v4  }
0x2a6: {  	v4 =	vperm.xlane v3, v0;
	_ =	sdelay $0x1  }
0x2a7: {  	v4 =	vadd.s32 v1, v4;
	_ =	sdelay $0x1  }
0x2a8: {  	v3 =	vperm.xlane v3, v2;
	_ =	sdelay $0x1  }
0x2a9: {  	s14 =	simm.s32 $0xE400;
	v3 =	vadd.s32 v1, v3  }
0x2aa: {  	[tilespmem:s14], [sflag:$0x2] =	stream.indirect_vreg.gather [hbm4b:s2+s4], $0x80, v4, vm0, $0xb8;
	[tilespmem:$0x10400] =	vst v63  }
0x2ab: {  	s24 =	simm.s32 $0xEC00  }
0x2ac: {  	[tilespmem:s24], [sflag:$0x2] =	stream.indirect_vreg.gather [hbm4b:s6+s4], $0x80, v4, vm0, $0xb8;
	[tilespmem:$0x10400] =	vst v63  }
0x2ad: {  	s26 =	simm.s32 $0xF400  }
0x2ae: {  	[tilespmem:s26], [sflag:$0x2] =	stream.indirect_vreg.gather [hbm4b:s2+s4], $0x80, v3, vm0, $0xb8;
	[tilespmem:$0x10400] =	vst v63  }
0x2af: {  	s29 =	simm.s32 $0xFC00  }
0x2b0: {  	[tilespmem:s29], [sflag:$0x2] =	stream.indirect_vreg.gather [hbm4b:s6+s4], $0x80, v3, vm0, $0xb8;
	[tilespmem:$0x10400] =	vst v63  }
0x2b1: {  	_ =	swait.ge [sflag:s18], $0x8000  }
0x2b2: {  	[sflag:s18] =	ssyncset.done $0x0  }
0x2b3: {  	s20 =	rddreg [dreg:$0xe];
	[sflag:s18] =	ssyncadd.s32 $0xFFFF8000  }
0x2b4: {  	[hbm4b:s20+s4] =	stream.linear.scatter [tilespmem:s3], [sflag:$0x3], $0x8000, $0x38;
	[tilespmem:$0x10400] =	vst v63  }
0x2b5: {  	_ =	swait.ge [sflag:s8], $0x8000  }
0x2b6: {  	[sflag:s8] =	ssyncset.done $0x0  }
0x2b7: {  	[sflag:s8] =	ssyncadd.s32 $0xFFFF8000  }
0x2b8: {  	_ =	swait.ge [sflag:s19], $0x8000  }
0x2b9: {  	[sflag:s19] =	ssyncset.done $0x0  }
0x2ba: {  	s20 =	rddreg [dreg:$0xf];
	[sflag:s19] =	ssyncadd.s32 $0xFFFF8000  }
0x2bb: {  	[hbm4b:s20+s4] =	stream.linear.scatter [tilespmem:s25], [sflag:$0x3], $0x8000, $0x38;
	[tilespmem:$0x10400] =	vst v63  }
0x2bc: {  	_ =	swait.ge [sflag:s8], $0x8000  }
0x2bd: {  	[sflag:s8] =	ssyncset.done $0x0  }
0x2be: {  	[sflag:s8] =	ssyncadd.s32 $0xFFFF8000  }
0x2bf: {  	v3 =	vld [tilespmem:$0x280];
	_ =	sdelay $0x4  }
0x2c0: {  	v40 =	vshll.u32 v3, $0x2  }
0x2c1: {  	v3 =	vand.u32 $0x7, v3;
	v4 =	vand.u32 $0xFFFFFFE0, v40  }
0x2c2: {  	v3 =	vor.u32 v3, v4  }
0x2c3: {  	v4 =	vperm.xlane v3, v0;
	_ =	sdelay $0x1  }
0x2c4: {  	v4 =	vadd.s32 v1, v4;
	_ =	sdelay $0x1  }
0x2c5: {  	v3 =	vperm.xlane v3, v2;
	_ =	sdelay $0x1  }
0x2c6: {  	v3 =	vadd.s32 v1, v3  }
0x2c7: {  	[tilespmem:s3], [sflag:$0x1] =	stream.indirect_vreg.gather [hbm4b:s1+s4], $0x80, v4, vm0, $0xb8;
	[tilespmem:$0x10400] =	vst v63  }
0x2c8: {  	s20 =	simm.s32 $0xC00  }
0x2c9: {  	[tilespmem:s20], [sflag:$0x1] =	stream.indirect_vreg.gather [hbm4b:s5+s4], $0x80, v4, vm0, $0xb8;
	[tilespmem:$0x10400] =	vst v63  }
0x2ca: {  	s20 =	simm.s32 $0x1400  }
0x2cb: {  	[tilespmem:s20], [sflag:$0x1] =	stream.indirect_vreg.gather [hbm4b:s1+s4], $0x80, v3, vm0, $0xb8;
	[tilespmem:$0x10400] =	vst v63  }
0x2cc: {  	s20 =	simm.s32 $0x1C00  }
0x2cd: {  	[tilespmem:s20], [sflag:$0x1] =	stream.indirect_vreg.gather [hbm4b:s5+s4], $0x80, v3, vm0, $0xb8;
	[tilespmem:$0x10400] =	vst v63  }
0x2ce: {  	v3 =	vld [tilespmem:$0x290];
	_ =	sdelay $0x4  }
0x2cf: {  	v41 =	vshll.u32 v3, $0x2  }
0x2d0: {  	v3 =	vand.u32 $0x7, v3;
	v4 =	vand.u32 $0xFFFFFFE0, v41  }
0x2d1: {  	v3 =	vor.u32 v3, v4  }
0x2d2: {  	v4 =	vperm.xlane v3, v0;
	_ =	sdelay $0x1  }
0x2d3: {  	v4 =	vadd.s32 v1, v4;
	_ =	sdelay $0x1  }
0x2d4: {  	v3 =	vperm.xlane v3, v2;
	_ =	sdelay $0x1  }
0x2d5: {  	s20 =	simm.s32 $0x2400;
	v3 =	vadd.s32 v1, v3  }
0x2d6: {  	[tilespmem:s20], [sflag:$0x1] =	stream.indirect_vreg.gather [hbm4b:s1+s4], $0x80, v4, vm0, $0xb8;
	[tilespmem:$0x10400] =	vst v63  }
0x2d7: {  	s20 =	simm.s32 $0x2C00  }
0x2d8: {  	[tilespmem:s20], [sflag:$0x1] =	stream.indirect_vreg.gather [hbm4b:s5+s4], $0x80, v4, vm0, $0xb8;
	[tilespmem:$0x10400] =	vst v63  }
0x2d9: {  	s20 =	simm.s32 $0x3400  }
0x2da: {  	[tilespmem:s20], [sflag:$0x1] =	stream.indirect_vreg.gather [hbm4b:s1+s4], $0x80, v3, vm0, $0xb8;
	[tilespmem:$0x10400] =	vst v63  }
0x2db: {  	s20 =	simm.s32 $0x3C00  }
0x2dc: {  	[tilespmem:s20], [sflag:$0x1] =	stream.indirect_vreg.gather [hbm4b:s5+s4], $0x80, v3, vm0, $0xb8;
	[tilespmem:$0x10400] =	vst v63  }
0x2dd: {  	v3 =	vld [tilespmem:$0x2A0];
	_ =	sdelay $0x4  }
0x2de: {  	v42 =	vshll.u32 v3, $0x2  }
0x2df: {  	v3 =	vand.u32 $0x7, v3;
	v4 =	vand.u32 $0xFFFFFFE0, v42  }
0x2e0: {  	v3 =	vor.u32 v3, v4  }
0x2e1: {  	v4 =	vperm.xlane v3, v0;
	_ =	sdelay $0x1  }
0x2e2: {  	v4 =	vadd.s32 v1, v4;
	_ =	sdelay $0x1  }
0x2e3: {  	v3 =	vperm.xlane v3, v2;
	_ =	sdelay $0x1  }
0x2e4: {  	s20 =	simm.s32 $0x4400;
	v3 =	vadd.s32 v1, v3  }
0x2e5: {  	[tilespmem:s20], [sflag:$0x1] =	stream.indirect_vreg.gather [hbm4b:s1+s4], $0x80, v4, vm0, $0xb8;
	[tilespmem:$0x10400] =	vst v63  }
0x2e6: {  	s20 =	simm.s32 $0x4C00  }
0x2e7: {  	[tilespmem:s20], [sflag:$0x1] =	stream.indirect_vreg.gather [hbm4b:s5+s4], $0x80, v4, vm0, $0xb8;
	[tilespmem:$0x10400] =	vst v63  }
0x2e8: {  	s9 =	simm.s32 $0x5400  }
0x2e9: {  	[tilespmem:s9], [sflag:$0x1] =	stream.indirect_vreg.gather [hbm4b:s1+s4], $0x80, v3, vm0, $0xb8;
	[tilespmem:$0x10400] =	vst v63  }
0x2ea: {  	s15 =	simm.s32 $0x5C00  }
0x2eb: {  	[tilespmem:s15], [sflag:$0x1] =	stream.indirect_vreg.gather [hbm4b:s5+s4], $0x80, v3, vm0, $0xb8;
	[tilespmem:$0x10400] =	vst v63  }
0x2ec: {  	v3 =	vld [tilespmem:$0x2B0];
	_ =	sdelay $0x4  }
0x2ed: {  	v43 =	vshll.u32 v3, $0x2  }
0x2ee: {  	v3 =	vand.u32 $0x7, v3;
	v4 =	vand.u32 $0xFFFFFFE0, v43  }
0x2ef: {  	v3 =	vor.u32 v3, v4  }
0x2f0: {  	v4 =	vperm.xlane v3, v0;
	_ =	sdelay $0x1  }
0x2f1: {  	v4 =	vadd.s32 v1, v4;
	_ =	sdelay $0x1  }
0x2f2: {  	v3 =	vperm.xlane v3, v2;
	_ =	sdelay $0x1  }
0x2f3: {  	s16 =	simm.s32 $0x6400;
	v3 =	vadd.s32 v1, v3  }
0x2f4: {  	[tilespmem:s16], [sflag:$0x1] =	stream.indirect_vreg.gather [hbm4b:s1+s4], $0x80, v4, vm0, $0xb8;
	[tilespmem:$0x10400] =	vst v63  }
0x2f5: {  	s17 =	simm.s32 $0x6C00  }
0x2f6: {  	[tilespmem:s17], [sflag:$0x1] =	stream.indirect_vreg.gather [hbm4b:s5+s4], $0x80, v4, vm0, $0xb8;
	[tilespmem:$0x10400] =	vst v63  }
0x2f7: {  	s21 =	simm.s32 $0x7400  }
0x2f8: {  	[tilespmem:s21], [sflag:$0x1] =	stream.indirect_vreg.gather [hbm4b:s1+s4], $0x80, v3, vm0, $0xb8;
	[tilespmem:$0x10400] =	vst v63  }
0x2f9: {  	s20 =	simm.s32 $0x7C00  }
0x2fa: {  	[tilespmem:s20], [sflag:$0x1] =	stream.indirect_vreg.gather [hbm4b:s5+s4], $0x80, v3, vm0, $0xb8;
	[tilespmem:$0x10400] =	vst v63  }
0x2fb: {  	v3 =	vld [tilespmem:$0x280];
	_ =	sdelay $0x4  }
0x2fc: {  	v44 =	vshll.u32 v3, $0x2  }
0x2fd: {  	v3 =	vand.u32 $0x7, v3;
	v4 =	vand.u32 $0xFFFFFFE0, v44  }
0x2fe: {  	v3 =	vor.u32 v3, v4  }
0x2ff: {  	v4 =	vperm.xlane v3, v0;
	_ =	sdelay $0x1  }
0x300: {  	v4 =	vadd.s32 v1, v4;
	_ =	sdelay $0x1  }
0x301: {  	v3 =	vperm.xlane v3, v2;
	_ =	sdelay $0x1  }
0x302: {  	v3 =	vadd.s32 v1, v3  }
0x303: {  	[tilespmem:s25], [sflag:$0x2] =	stream.indirect_vreg.gather [hbm4b:s2+s4], $0x80, v4, vm0, $0xb8;
	[tilespmem:$0x10400] =	vst v63  }
0x304: {  	s22 =	simm.s32 $0x8C00  }
0x305: {  	[tilespmem:s22], [sflag:$0x2] =	stream.indirect_vreg.gather [hbm4b:s6+s4], $0x80, v4, vm0, $0xb8;
	[tilespmem:$0x10400] =	vst v63  }
0x306: {  	s23 =	simm.s32 $0x9400  }
0x307: {  	[tilespmem:s23], [sflag:$0x2] =	stream.indirect_vreg.gather [hbm4b:s2+s4], $0x80, v3, vm0, $0xb8;
	[tilespmem:$0x10400] =	vst v63  }
0x308: {  	s0 =	simm.s32 $0x9C00  }
0x309: {  	[tilespmem:s0], [sflag:$0x2] =	stream.indirect_vreg.gather [hbm4b:s6+s4], $0x80, v3, vm0, $0xb8;
	[tilespmem:$0x10400] =	vst v63  }
0x30a: {  	v3 =	vld [tilespmem:$0x290];
	_ =	sdelay $0x4  }
0x30b: {  	v45 =	vshll.u32 v3, $0x2  }
0x30c: {  	v3 =	vand.u32 $0x7, v3;
	v4 =	vand.u32 $0xFFFFFFE0, v45  }
0x30d: {  	v3 =	vor.u32 v3, v4  }
0x30e: {  	v4 =	vperm.xlane v3, v0;
	_ =	sdelay $0x1  }
0x30f: {  	v4 =	vadd.s32 v1, v4;
	_ =	sdelay $0x1  }
0x310: {  	v3 =	vperm.xlane v3, v2;
	_ =	sdelay $0x1  }
0x311: {  	s31 =	simm.s32 $0xA400;
	v3 =	vadd.s32 v1, v3  }
0x312: {  	[tilespmem:s31], [sflag:$0x2] =	stream.indirect_vreg.gather [hbm4b:s2+s4], $0x80, v4, vm0, $0xb8;
	[tilespmem:$0x10400] =	vst v63  }
0x313: {  	s7 =	simm.s32 $0xAC00  }
0x314: {  	[tilespmem:s7], [sflag:$0x2] =	stream.indirect_vreg.gather [hbm4b:s6+s4], $0x80, v4, vm0, $0xb8;
	[tilespmem:$0x10400] =	vst v63  }
0x315: {  	s10 =	simm.s32 $0xB400  }
0x316: {  	[tilespmem:s10], [sflag:$0x2] =	stream.indirect_vreg.gather [hbm4b:s2+s4], $0x80, v3, vm0, $0xb8;
	[tilespmem:$0x10400] =	vst v63  }
0x317: {  	s30 =	simm.s32 $0xBC00  }
0x318: {  	[tilespmem:s30], [sflag:$0x2] =	stream.indirect_vreg.gather [hbm4b:s6+s4], $0x80, v3, vm0, $0xb8;
	[tilespmem:$0x10400] =	vst v63  }
0x319: {  	v3 =	vld [tilespmem:$0x2A0];
	_ =	sdelay $0x4  }
0x31a: {  	v46 =	vshll.u32 v3, $0x2  }
0x31b: {  	v3 =	vand.u32 $0x7, v3;
	v4 =	vand.u32 $0xFFFFFFE0, v46  }
0x31c: {  	v3 =	vor.u32 v3, v4  }
0x31d: {  	v4 =	vperm.xlane v3, v0;
	_ =	sdelay $0x1  }
0x31e: {  	v4 =	vadd.s32 v1, v4;
	_ =	sdelay $0x1  }
0x31f: {  	v3 =	vperm.xlane v3, v2;
	_ =	sdelay $0x1  }
0x320: {  	s11 =	simm.s32 $0xC400;
	v3 =	vadd.s32 v1, v3  }
0x321: {  	[tilespmem:s11], [sflag:$0x2] =	stream.indirect_vreg.gather [hbm4b:s2+s4], $0x80, v4, vm0, $0xb8;
	[tilespmem:$0x10400] =	vst v63  }
0x322: {  	s12 =	simm.s32 $0xCC00  }
0x323: {  	[tilespmem:s12], [sflag:$0x2] =	stream.indirect_vreg.gather [hbm4b:s6+s4], $0x80, v4, vm0, $0xb8;
	[tilespmem:$0x10400] =	vst v63  }
0x324: {  	s13 =	simm.s32 $0xD400  }
0x325: {  	[tilespmem:s13], [sflag:$0x2] =	stream.indirect_vreg.gather [hbm4b:s2+s4], $0x80, v3, vm0, $0xb8;
	[tilespmem:$0x10400] =	vst v63  }
0x326: {  	s28 =	simm.s32 $0xDC00  }
0x327: {  	[tilespmem:s28], [sflag:$0x2] =	stream.indirect_vreg.gather [hbm4b:s6+s4], $0x80, v3, vm0, $0xb8;
	[tilespmem:$0x10400] =	vst v63  }
0x328: {  	v3 =	vld [tilespmem:$0x2B0];
	_ =	sdelay $0x4  }
0x329: {  	v47 =	vshll.u32 v3, $0x2  }
0x32a: {  	v3 =	vand.u32 $0x7, v3;
	v4 =	vand.u32 $0xFFFFFFE0, v47  }
0x32b: {  	v3 =	vor.u32 v3, v4  }
0x32c: {  	v4 =	vperm.xlane v3, v0;
	_ =	sdelay $0x1  }
0x32d: {  	v4 =	vadd.s32 v1, v4;
	_ =	sdelay $0x1  }
0x32e: {  	v3 =	vperm.xlane v3, v2;
	_ =	sdelay $0x1  }
0x32f: {  	s14 =	simm.s32 $0xE400;
	v3 =	vadd.s32 v1, v3  }
0x330: {  	[tilespmem:s14], [sflag:$0x2] =	stream.indirect_vreg.gather [hbm4b:s2+s4], $0x80, v4, vm0, $0xb8;
	[tilespmem:$0x10400] =	vst v63  }
0x331: {  	s24 =	simm.s32 $0xEC00  }
0x332: {  	[tilespmem:s24], [sflag:$0x2] =	stream.indirect_vreg.gather [hbm4b:s6+s4], $0x80, v4, vm0, $0xb8;
	[tilespmem:$0x10400] =	vst v63  }
0x333: {  	s26 =	simm.s32 $0xF400  }
0x334: {  	[tilespmem:s26], [sflag:$0x2] =	stream.indirect_vreg.gather [hbm4b:s2+s4], $0x80, v3, vm0, $0xb8;
	[tilespmem:$0x10400] =	vst v63  }
0x335: {  	s29 =	simm.s32 $0xFC00  }
0x336: {  	[tilespmem:s29], [sflag:$0x2] =	stream.indirect_vreg.gather [hbm4b:s6+s4], $0x80, v3, vm0, $0xb8;
	[tilespmem:$0x10400] =	vst v63  }
0x337: {  	_ =	swait.ge [sflag:s18], $0x8000  }
0x338: {  	[sflag:s18] =	ssyncset.done $0x0  }
0x339: {  	s7 =	rddreg [dreg:$0x10];
	[sflag:s18] =	ssyncadd.s32 $0xFFFF8000  }
0x33a: {  	[hbm4b:s7+s4] =	stream.linear.scatter [tilespmem:s3], [sflag:$0x3], $0x8000, $0x38;
	[tilespmem:$0x10400] =	vst v63  }
0x33b: {  	_ =	swait.ge [sflag:s8], $0x8000  }
0x33c: {  	[sflag:s8] =	ssyncset.done $0x0  }
0x33d: {  	[sflag:s8] =	ssyncadd.s32 $0xFFFF8000  }
0x33e: {  	_ =	swait.ge [sflag:s19], $0x8000  }
0x33f: {  	[sflag:s19] =	ssyncset.done $0x0  }
0x340: {  	s28 =	rddreg [dreg:$0x11];
	[sflag:s19] =	ssyncadd.s32 $0xFFFF8000  }
0x341: {  	[hbm4b:s28+s4] =	stream.linear.scatter [tilespmem:s25], [sflag:$0x3], $0x8000, $0x38;
	[tilespmem:$0x10400] =	vst v63  }
0x342: {  	_ =	swait.ge [sflag:s8], $0x8000  }
0x343: {  	[sflag:s8] =	ssyncset.done $0x0  }
0x344: {  	[sflag:s8] =	ssyncadd.s32 $0xFFFF8000  }
0x345: {  	v3 =	vld [tilespmem:$0x300];
	_ =	sdelay $0x4  }
0x346: {  	v48 =	vshll.u32 v3, $0x2  }
0x347: {  	v3 =	vand.u32 $0x7, v3;
	v4 =	vand.u32 $0xFFFFFFE0, v48  }
0x348: {  	v3 =	vor.u32 v3, v4  }
0x349: {  	v4 =	vperm.xlane v3, v0;
	_ =	sdelay $0x1  }
0x34a: {  	v4 =	vadd.s32 v1, v4;
	_ =	sdelay $0x1  }
0x34b: {  	v3 =	vperm.xlane v3, v2;
	_ =	sdelay $0x1  }
0x34c: {  	v3 =	vadd.s32 v1, v3  }
0x34d: {  	[tilespmem:s3], [sflag:$0x1] =	stream.indirect_vreg.gather [hbm4b:s1+s4], $0x80, v4, vm0, $0xb8;
	[tilespmem:$0x10400] =	vst v63  }
0x34e: {  	s29 =	simm.s32 $0xC00  }
0x34f: {  	[tilespmem:s29], [sflag:$0x1] =	stream.indirect_vreg.gather [hbm4b:s5+s4], $0x80, v4, vm0, $0xb8;
	[tilespmem:$0x10400] =	vst v63  }
0x350: {  	s30 =	simm.s32 $0x1400  }
0x351: {  	[tilespmem:s30], [sflag:$0x1] =	stream.indirect_vreg.gather [hbm4b:s1+s4], $0x80, v3, vm0, $0xb8;
	[tilespmem:$0x10400] =	vst v63  }
0x352: {  	s20 =	simm.s32 $0x1C00  }
0x353: {  	[tilespmem:s20], [sflag:$0x1] =	stream.indirect_vreg.gather [hbm4b:s5+s4], $0x80, v3, vm0, $0xb8;
	[tilespmem:$0x10400] =	vst v63  }
0x354: {  	v3 =	vld [tilespmem:$0x310];
	_ =	sdelay $0x4  }
0x355: {  	v49 =	vshll.u32 v3, $0x2  }
0x356: {  	v3 =	vand.u32 $0x7, v3;
	v4 =	vand.u32 $0xFFFFFFE0, v49  }
0x357: {  	v3 =	vor.u32 v3, v4  }
0x358: {  	v4 =	vperm.xlane v3, v0;
	_ =	sdelay $0x1  }
0x359: {  	v4 =	vadd.s32 v1, v4;
	_ =	sdelay $0x1  }
0x35a: {  	v3 =	vperm.xlane v3, v2;
	_ =	sdelay $0x1  }
0x35b: {  	s28 =	simm.s32 $0x2400;
	v3 =	vadd.s32 v1, v3  }
0x35c: {  	[tilespmem:s28], [sflag:$0x1] =	stream.indirect_vreg.gather [hbm4b:s1+s4], $0x80, v4, vm0, $0xb8;
	[tilespmem:$0x10400] =	vst v63  }
0x35d: {  	s29 =	simm.s32 $0x2C00  }
0x35e: {  	[tilespmem:s29], [sflag:$0x1] =	stream.indirect_vreg.gather [hbm4b:s5+s4], $0x80, v4, vm0, $0xb8;
	[tilespmem:$0x10400] =	vst v63  }
0x35f: {  	s30 =	simm.s32 $0x3400  }
0x360: {  	[tilespmem:s30], [sflag:$0x1] =	stream.indirect_vreg.gather [hbm4b:s1+s4], $0x80, v3, vm0, $0xb8;
	[tilespmem:$0x10400] =	vst v63  }
0x361: {  	s7 =	simm.s32 $0x3C00  }
0x362: {  	[tilespmem:s7], [sflag:$0x1] =	stream.indirect_vreg.gather [hbm4b:s5+s4], $0x80, v3, vm0, $0xb8;
	[tilespmem:$0x10400] =	vst v63  }
0x363: {  	v3 =	vld [tilespmem:$0x320];
	_ =	sdelay $0x4  }
0x364: {  	v50 =	vshll.u32 v3, $0x2  }
0x365: {  	v3 =	vand.u32 $0x7, v3;
	v4 =	vand.u32 $0xFFFFFFE0, v50  }
0x366: {  	v3 =	vor.u32 v3, v4  }
0x367: {  	v4 =	vperm.xlane v3, v0;
	_ =	sdelay $0x1  }
0x368: {  	v4 =	vadd.s32 v1, v4;
	_ =	sdelay $0x1  }
0x369: {  	v3 =	vperm.xlane v3, v2;
	_ =	sdelay $0x1  }
0x36a: {  	s20 =	simm.s32 $0x4400;
	v3 =	vadd.s32 v1, v3  }
0x36b: {  	[tilespmem:s20], [sflag:$0x1] =	stream.indirect_vreg.gather [hbm4b:s1+s4], $0x80, v4, vm0, $0xb8;
	[tilespmem:$0x10400] =	vst v63  }
0x36c: {  	s28 =	simm.s32 $0x4C00  }
0x36d: {  	[tilespmem:s28], [sflag:$0x1] =	stream.indirect_vreg.gather [hbm4b:s5+s4], $0x80, v4, vm0, $0xb8;
	[tilespmem:$0x10400] =	vst v63  }
0x36e: {  	s9 =	simm.s32 $0x5400  }
0x36f: {  	[tilespmem:s9], [sflag:$0x1] =	stream.indirect_vreg.gather [hbm4b:s1+s4], $0x80, v3, vm0, $0xb8;
	[tilespmem:$0x10400] =	vst v63  }
0x370: {  	s15 =	simm.s32 $0x5C00  }
0x371: {  	[tilespmem:s15], [sflag:$0x1] =	stream.indirect_vreg.gather [hbm4b:s5+s4], $0x80, v3, vm0, $0xb8;
	[tilespmem:$0x10400] =	vst v63  }
0x372: {  	v3 =	vld [tilespmem:$0x330];
	_ =	sdelay $0x4  }
0x373: {  	v51 =	vshll.u32 v3, $0x2  }
0x374: {  	v3 =	vand.u32 $0x7, v3;
	v4 =	vand.u32 $0xFFFFFFE0, v51  }
0x375: {  	v3 =	vor.u32 v3, v4  }
0x376: {  	v4 =	vperm.xlane v3, v0;
	_ =	sdelay $0x1  }
0x377: {  	v4 =	vadd.s32 v1, v4;
	_ =	sdelay $0x1  }
0x378: {  	v3 =	vperm.xlane v3, v2;
	_ =	sdelay $0x1  }
0x379: {  	s16 =	simm.s32 $0x6400;
	v3 =	vadd.s32 v1, v3  }
0x37a: {  	[tilespmem:s16], [sflag:$0x1] =	stream.indirect_vreg.gather [hbm4b:s1+s4], $0x80, v4, vm0, $0xb8;
	[tilespmem:$0x10400] =	vst v63  }
0x37b: {  	s17 =	simm.s32 $0x6C00  }
0x37c: {  	[tilespmem:s17], [sflag:$0x1] =	stream.indirect_vreg.gather [hbm4b:s5+s4], $0x80, v4, vm0, $0xb8;
	[tilespmem:$0x10400] =	vst v63  }
0x37d: {  	s21 =	simm.s32 $0x7400  }
0x37e: {  	[tilespmem:s21], [sflag:$0x1] =	stream.indirect_vreg.gather [hbm4b:s1+s4], $0x80, v3, vm0, $0xb8;
	[tilespmem:$0x10400] =	vst v63  }
0x37f: {  	s30 =	simm.s32 $0x7C00  }
0x380: {  	[tilespmem:s30], [sflag:$0x1] =	stream.indirect_vreg.gather [hbm4b:s5+s4], $0x80, v3, vm0, $0xb8;
	[tilespmem:$0x10400] =	vst v63  }
0x381: {  	v3 =	vld [tilespmem:$0x300];
	_ =	sdelay $0x4  }
0x382: {  	v52 =	vshll.u32 v3, $0x2  }
0x383: {  	v3 =	vand.u32 $0x7, v3;
	v4 =	vand.u32 $0xFFFFFFE0, v52  }
0x384: {  	v3 =	vor.u32 v3, v4  }
0x385: {  	v4 =	vperm.xlane v3, v0;
	_ =	sdelay $0x1  }
0x386: {  	v4 =	vadd.s32 v1, v4;
	_ =	sdelay $0x1  }
0x387: {  	v3 =	vperm.xlane v3, v2;
	_ =	sdelay $0x1  }
0x388: {  	v3 =	vadd.s32 v1, v3  }
0x389: {  	[tilespmem:s25], [sflag:$0x2] =	stream.indirect_vreg.gather [hbm4b:s2+s4], $0x80, v4, vm0, $0xb8;
	[tilespmem:$0x10400] =	vst v63  }
0x38a: {  	s22 =	simm.s32 $0x8C00  }
0x38b: {  	[tilespmem:s22], [sflag:$0x2] =	stream.indirect_vreg.gather [hbm4b:s6+s4], $0x80, v4, vm0, $0xb8;
	[tilespmem:$0x10400] =	vst v63  }
0x38c: {  	s23 =	simm.s32 $0x9400  }
0x38d: {  	[tilespmem:s23], [sflag:$0x2] =	stream.indirect_vreg.gather [hbm4b:s2+s4], $0x80, v3, vm0, $0xb8;
	[tilespmem:$0x10400] =	vst v63  }
0x38e: {  	s0 =	simm.s32 $0x9C00  }
0x38f: {  	[tilespmem:s0], [sflag:$0x2] =	stream.indirect_vreg.gather [hbm4b:s6+s4], $0x80, v3, vm0, $0xb8;
	[tilespmem:$0x10400] =	vst v63  }
0x390: {  	v3 =	vld [tilespmem:$0x310];
	_ =	sdelay $0x4  }
0x391: {  	v53 =	vshll.u32 v3, $0x2  }
0x392: {  	v3 =	vand.u32 $0x7, v3;
	v4 =	vand.u32 $0xFFFFFFE0, v53  }
0x393: {  	v3 =	vor.u32 v3, v4  }
0x394: {  	v4 =	vperm.xlane v3, v0;
	_ =	sdelay $0x1  }
0x395: {  	v4 =	vadd.s32 v1, v4;
	_ =	sdelay $0x1  }
0x396: {  	v3 =	vperm.xlane v3, v2;
	_ =	sdelay $0x1  }
0x397: {  	s20 =	simm.s32 $0xA400;
	v3 =	vadd.s32 v1, v3  }
0x398: {  	[tilespmem:s20], [sflag:$0x2] =	stream.indirect_vreg.gather [hbm4b:s2+s4], $0x80, v4, vm0, $0xb8;
	[tilespmem:$0x10400] =	vst v63  }
0x399: {  	s31 =	simm.s32 $0xAC00  }
0x39a: {  	[tilespmem:s31], [sflag:$0x2] =	stream.indirect_vreg.gather [hbm4b:s6+s4], $0x80, v4, vm0, $0xb8;
	[tilespmem:$0x10400] =	vst v63  }
0x39b: {  	s10 =	simm.s32 $0xB400  }
0x39c: {  	[tilespmem:s10], [sflag:$0x2] =	stream.indirect_vreg.gather [hbm4b:s2+s4], $0x80, v3, vm0, $0xb8;
	[tilespmem:$0x10400] =	vst v63  }
0x39d: {  	s20 =	simm.s32 $0xBC00  }
0x39e: {  	[tilespmem:s20], [sflag:$0x2] =	stream.indirect_vreg.gather [hbm4b:s6+s4], $0x80, v3, vm0, $0xb8;
	[tilespmem:$0x10400] =	vst v63  }
0x39f: {  	v3 =	vld [tilespmem:$0x320];
	_ =	sdelay $0x4  }
0x3a0: {  	v54 =	vshll.u32 v3, $0x2  }
0x3a1: {  	v3 =	vand.u32 $0x7, v3;
	v4 =	vand.u32 $0xFFFFFFE0, v54  }
0x3a2: {  	v3 =	vor.u32 v3, v4  }
0x3a3: {  	v4 =	vperm.xlane v3, v0;
	_ =	sdelay $0x1  }
0x3a4: {  	v4 =	vadd.s32 v1, v4;
	_ =	sdelay $0x1  }
0x3a5: {  	v3 =	vperm.xlane v3, v2;
	_ =	sdelay $0x1  }
0x3a6: {  	s11 =	simm.s32 $0xC400;
	v3 =	vadd.s32 v1, v3  }
0x3a7: {  	[tilespmem:s11], [sflag:$0x2] =	stream.indirect_vreg.gather [hbm4b:s2+s4], $0x80, v4, vm0, $0xb8;
	[tilespmem:$0x10400] =	vst v63  }
0x3a8: {  	s12 =	simm.s32 $0xCC00  }
0x3a9: {  	[tilespmem:s12], [sflag:$0x2] =	stream.indirect_vreg.gather [hbm4b:s6+s4], $0x80, v4, vm0, $0xb8;
	[tilespmem:$0x10400] =	vst v63  }
0x3aa: {  	s13 =	simm.s32 $0xD400  }
0x3ab: {  	[tilespmem:s13], [sflag:$0x2] =	stream.indirect_vreg.gather [hbm4b:s2+s4], $0x80, v3, vm0, $0xb8;
	[tilespmem:$0x10400] =	vst v63  }
0x3ac: {  	s20 =	simm.s32 $0xDC00  }
0x3ad: {  	[tilespmem:s20], [sflag:$0x2] =	stream.indirect_vreg.gather [hbm4b:s6+s4], $0x80, v3, vm0, $0xb8;
	[tilespmem:$0x10400] =	vst v63  }
0x3ae: {  	v3 =	vld [tilespmem:$0x330];
	_ =	sdelay $0x4  }
0x3af: {  	v55 =	vshll.u32 v3, $0x2  }
0x3b0: {  	v3 =	vand.u32 $0x7, v3;
	v4 =	vand.u32 $0xFFFFFFE0, v55  }
0x3b1: {  	v3 =	vor.u32 v3, v4  }
0x3b2: {  	v4 =	vperm.xlane v3, v0;
	_ =	sdelay $0x1  }
0x3b3: {  	v4 =	vadd.s32 v1, v4;
	_ =	sdelay $0x1  }
0x3b4: {  	v3 =	vperm.xlane v3, v2;
	_ =	sdelay $0x1  }
0x3b5: {  	s14 =	simm.s32 $0xE400;
	v3 =	vadd.s32 v1, v3  }
0x3b6: {  	[tilespmem:s14], [sflag:$0x2] =	stream.indirect_vreg.gather [hbm4b:s2+s4], $0x80, v4, vm0, $0xb8;
	[tilespmem:$0x10400] =	vst v63  }
0x3b7: {  	s24 =	simm.s32 $0xEC00  }
0x3b8: {  	[tilespmem:s24], [sflag:$0x2] =	stream.indirect_vreg.gather [hbm4b:s6+s4], $0x80, v4, vm0, $0xb8;
	[tilespmem:$0x10400] =	vst v63  }
0x3b9: {  	s26 =	simm.s32 $0xF400  }
0x3ba: {  	[tilespmem:s26], [sflag:$0x2] =	stream.indirect_vreg.gather [hbm4b:s2+s4], $0x80, v3, vm0, $0xb8;
	[tilespmem:$0x10400] =	vst v63  }
0x3bb: {  	s26 =	simm.s32 $0xFC00  }
0x3bc: {  	[tilespmem:s26], [sflag:$0x2] =	stream.indirect_vreg.gather [hbm4b:s6+s4], $0x80, v3, vm0, $0xb8;
	[tilespmem:$0x10400] =	vst v63  }
0x3bd: {  	_ =	swait.ge [sflag:s18], $0x8000  }
0x3be: {  	[sflag:s18] =	ssyncset.done $0x0  }
0x3bf: {  	s20 =	rddreg [dreg:$0x12];
	[sflag:s18] =	ssyncadd.s32 $0xFFFF8000  }
0x3c0: {  	[hbm4b:s20+s4] =	stream.linear.scatter [tilespmem:s3], [sflag:$0x3], $0x8000, $0x38;
	[tilespmem:$0x10400] =	vst v63  }
0x3c1: {  	_ =	swait.ge [sflag:s8], $0x8000  }
0x3c2: {  	[sflag:s8] =	ssyncset.done $0x0  }
0x3c3: {  	[sflag:s8] =	ssyncadd.s32 $0xFFFF8000  }
0x3c4: {  	_ =	swait.ge [sflag:s19], $0x8000  }
0x3c5: {  	[sflag:s19] =	ssyncset.done $0x0  }
0x3c6: {  	s20 =	rddreg [dreg:$0x13];
	[sflag:s19] =	ssyncadd.s32 $0xFFFF8000  }
0x3c7: {  	[hbm4b:s20+s4] =	stream.linear.scatter [tilespmem:s25], [sflag:$0x3], $0x8000, $0x38;
	[tilespmem:$0x10400] =	vst v63  }
0x3c8: {  	_ =	swait.ge [sflag:s8], $0x8000  }
0x3c9: {  	[sflag:s8] =	ssyncset.done $0x0  }
0x3ca: {  	[sflag:s8] =	ssyncadd.s32 $0xFFFF8000  }
0x3cb: {  	v3 =	vld [tilespmem:$0x380];
	_ =	sdelay $0x4  }
0x3cc: {  	v56 =	vshll.u32 v3, $0x2  }
0x3cd: {  	v3 =	vand.u32 $0x7, v3;
	v4 =	vand.u32 $0xFFFFFFE0, v56  }
0x3ce: {  	v3 =	vor.u32 v3, v4  }
0x3cf: {  	v4 =	vperm.xlane v3, v0;
	_ =	sdelay $0x1  }
0x3d0: {  	v4 =	vadd.s32 v1, v4;
	_ =	sdelay $0x1  }
0x3d1: {  	v3 =	vperm.xlane v3, v2;
	_ =	sdelay $0x1  }
0x3d2: {  	v3 =	vadd.s32 v1, v3  }
0x3d3: {  	[tilespmem:s3], [sflag:$0x1] =	stream.indirect_vreg.gather [hbm4b:s1+s4], $0x80, v4, vm0, $0xb8;
	[tilespmem:$0x10400] =	vst v63  }
0x3d4: {  	s20 =	simm.s32 $0xC00  }
0x3d5: {  	[tilespmem:s20], [sflag:$0x1] =	stream.indirect_vreg.gather [hbm4b:s5+s4], $0x80, v4, vm0, $0xb8;
	[tilespmem:$0x10400] =	vst v63  }
0x3d6: {  	s20 =	simm.s32 $0x1400  }
0x3d7: {  	[tilespmem:s20], [sflag:$0x1] =	stream.indirect_vreg.gather [hbm4b:s1+s4], $0x80, v3, vm0, $0xb8;
	[tilespmem:$0x10400] =	vst v63  }
0x3d8: {  	s20 =	simm.s32 $0x1C00  }
0x3d9: {  	[tilespmem:s20], [sflag:$0x1] =	stream.indirect_vreg.gather [hbm4b:s5+s4], $0x80, v3, vm0, $0xb8;
	[tilespmem:$0x10400] =	vst v63  }
0x3da: {  	v3 =	vld [tilespmem:$0x390];
	_ =	sdelay $0x4  }
0x3db: {  	v57 =	vshll.u32 v3, $0x2  }
0x3dc: {  	v3 =	vand.u32 $0x7, v3;
	v4 =	vand.u32 $0xFFFFFFE0, v57  }
0x3dd: {  	v3 =	vor.u32 v3, v4  }
0x3de: {  	v4 =	vperm.xlane v3, v0;
	_ =	sdelay $0x1  }
0x3df: {  	v4 =	vadd.s32 v1, v4;
	_ =	sdelay $0x1  }
0x3e0: {  	v3 =	vperm.xlane v3, v2;
	_ =	sdelay $0x1  }
0x3e1: {  	s20 =	simm.s32 $0x2400;
	v3 =	vadd.s32 v1, v3  }
0x3e2: {  	[tilespmem:s20], [sflag:$0x1] =	stream.indirect_vreg.gather [hbm4b:s1+s4], $0x80, v4, vm0, $0xb8;
	[tilespmem:$0x10400] =	vst v63  }
0x3e3: {  	s20 =	simm.s32 $0x2C00  }
0x3e4: {  	[tilespmem:s20], [sflag:$0x1] =	stream.indirect_vreg.gather [hbm4b:s5+s4], $0x80, v4, vm0, $0xb8;
	[tilespmem:$0x10400] =	vst v63  }
0x3e5: {  	s20 =	simm.s32 $0x3400  }
0x3e6: {  	[tilespmem:s20], [sflag:$0x1] =	stream.indirect_vreg.gather [hbm4b:s1+s4], $0x80, v3, vm0, $0xb8;
	[tilespmem:$0x10400] =	vst v63  }
0x3e7: {  	s29 =	simm.s32 $0x3C00  }
0x3e8: {  	[tilespmem:s29], [sflag:$0x1] =	stream.indirect_vreg.gather [hbm4b:s5+s4], $0x80, v3, vm0, $0xb8;
	[tilespmem:$0x10400] =	vst v63  }
0x3e9: {  	v3 =	vld [tilespmem:$0x3A0];
	_ =	sdelay $0x4  }
0x3ea: {  	v58 =	vshll.u32 v3, $0x2  }
0x3eb: {  	v3 =	vand.u32 $0x7, v3;
	v4 =	vand.u32 $0xFFFFFFE0, v58  }
0x3ec: {  	v3 =	vor.u32 v3, v4  }
0x3ed: {  	v4 =	vperm.xlane v3, v0;
	_ =	sdelay $0x1  }
0x3ee: {  	v4 =	vadd.s32 v1, v4;
	_ =	sdelay $0x1  }
0x3ef: {  	v3 =	vperm.xlane v3, v2;
	_ =	sdelay $0x1  }
0x3f0: {  	s29 =	simm.s32 $0x4400;
	v3 =	vadd.s32 v1, v3  }
0x3f1: {  	[tilespmem:s29], [sflag:$0x1] =	stream.indirect_vreg.gather [hbm4b:s1+s4], $0x80, v4, vm0, $0xb8;
	[tilespmem:$0x10400] =	vst v63  }
0x3f2: {  	s7 =	simm.s32 $0x4C00  }
0x3f3: {  	[tilespmem:s7], [sflag:$0x1] =	stream.indirect_vreg.gather [hbm4b:s5+s4], $0x80, v4, vm0, $0xb8;
	[tilespmem:$0x10400] =	vst v63  }
0x3f4: {  	s28 =	simm.s32 $0x5400  }
0x3f5: {  	[tilespmem:s28], [sflag:$0x1] =	stream.indirect_vreg.gather [hbm4b:s1+s4], $0x80, v3, vm0, $0xb8;
	[tilespmem:$0x10400] =	vst v63  }
0x3f6: {  	s9 =	simm.s32 $0x5C00  }
0x3f7: {  	[tilespmem:s9], [sflag:$0x1] =	stream.indirect_vreg.gather [hbm4b:s5+s4], $0x80, v3, vm0, $0xb8;
	[tilespmem:$0x10400] =	vst v63  }
0x3f8: {  	v3 =	vld [tilespmem:$0x3B0];
	_ =	sdelay $0x4  }
0x3f9: {  	v59 =	vshll.u32 v3, $0x2  }
0x3fa: {  	v3 =	vand.u32 $0x7, v3;
	v4 =	vand.u32 $0xFFFFFFE0, v59  }
0x3fb: {  	v3 =	vor.u32 v3, v4  }
0x3fc: {  	v4 =	vperm.xlane v3, v0;
	_ =	sdelay $0x1  }
0x3fd: {  	v4 =	vadd.s32 v1, v4;
	_ =	sdelay $0x1  }
0x3fe: {  	v3 =	vperm.xlane v3, v2;
	_ =	sdelay $0x1  }
0x3ff: {  	s15 =	simm.s32 $0x6400;
	v3 =	vadd.s32 v1, v3  }
0x400: {  	[tilespmem:s15], [sflag:$0x1] =	stream.indirect_vreg.gather [hbm4b:s1+s4], $0x80, v4, vm0, $0xb8;
	[tilespmem:$0x10400] =	vst v63  }
0x401: {  	s16 =	simm.s32 $0x6C00  }
0x402: {  	[tilespmem:s16], [sflag:$0x1] =	stream.indirect_vreg.gather [hbm4b:s5+s4], $0x80, v4, vm0, $0xb8;
	[tilespmem:$0x10400] =	vst v63  }
0x403: {  	s17 =	simm.s32 $0x7400  }
0x404: {  	[tilespmem:s17], [sflag:$0x1] =	stream.indirect_vreg.gather [hbm4b:s1+s4], $0x80, v3, vm0, $0xb8;
	[tilespmem:$0x10400] =	vst v63  }
0x405: {  	s30 =	simm.s32 $0x7C00  }
0x406: {  	[tilespmem:s30], [sflag:$0x1] =	stream.indirect_vreg.gather [hbm4b:s5+s4], $0x80, v3, vm0, $0xb8;
	[tilespmem:$0x10400] =	vst v63  }
0x407: {  	v3 =	vld [tilespmem:$0x380];
	_ =	sdelay $0x4  }
0x408: {  	v60 =	vshll.u32 v3, $0x2  }
0x409: {  	v3 =	vand.u32 $0x7, v3;
	v4 =	vand.u32 $0xFFFFFFE0, v60  }
0x40a: {  	v3 =	vor.u32 v3, v4  }
0x40b: {  	v4 =	vperm.xlane v3, v0;
	_ =	sdelay $0x1  }
0x40c: {  	v4 =	vadd.s32 v1, v4;
	_ =	sdelay $0x1  }
0x40d: {  	v3 =	vperm.xlane v3, v2;
	_ =	sdelay $0x1  }
0x40e: {  	v3 =	vadd.s32 v1, v3  }
0x40f: {  	[tilespmem:s25], [sflag:$0x2] =	stream.indirect_vreg.gather [hbm4b:s2+s4], $0x80, v4, vm0, $0xb8;
	[tilespmem:$0x10400] =	vst v63  }
0x410: {  	s21 =	simm.s32 $0x8C00  }
0x411: {  	[tilespmem:s21], [sflag:$0x2] =	stream.indirect_vreg.gather [hbm4b:s6+s4], $0x80, v4, vm0, $0xb8;
	[tilespmem:$0x10400] =	vst v63  }
0x412: {  	s22 =	simm.s32 $0x9400  }
0x413: {  	[tilespmem:s22], [sflag:$0x2] =	stream.indirect_vreg.gather [hbm4b:s2+s4], $0x80, v3, vm0, $0xb8;
	[tilespmem:$0x10400] =	vst v63  }
0x414: {  	s23 =	simm.s32 $0x9C00  }
0x415: {  	[tilespmem:s23], [sflag:$0x2] =	stream.indirect_vreg.gather [hbm4b:s6+s4], $0x80, v3, vm0, $0xb8;
	[tilespmem:$0x10400] =	vst v63  }
0x416: {  	v3 =	vld [tilespmem:$0x390];
	_ =	sdelay $0x4  }
0x417: {  	v61 =	vshll.u32 v3, $0x2  }
0x418: {  	v3 =	vand.u32 $0x7, v3;
	v4 =	vand.u32 $0xFFFFFFE0, v61  }
0x419: {  	v3 =	vor.u32 v3, v4  }
0x41a: {  	v4 =	vperm.xlane v3, v0;
	_ =	sdelay $0x1  }
0x41b: {  	v4 =	vadd.s32 v1, v4;
	_ =	sdelay $0x1  }
0x41c: {  	v3 =	vperm.xlane v3, v2;
	_ =	sdelay $0x1  }
0x41d: {  	s22 =	simm.s32 $0xA400;
	v3 =	vadd.s32 v1, v3  }
0x41e: {  	[tilespmem:s22], [sflag:$0x2] =	stream.indirect_vreg.gather [hbm4b:s2+s4], $0x80, v4, vm0, $0xb8;
	[tilespmem:$0x10400] =	vst v63  }
0x41f: {  	s0 =	simm.s32 $0xAC00  }
0x420: {  	[tilespmem:s0], [sflag:$0x2] =	stream.indirect_vreg.gather [hbm4b:s6+s4], $0x80, v4, vm0, $0xb8;
	[tilespmem:$0x10400] =	vst v63  }
0x421: {  	s31 =	simm.s32 $0xB400  }
0x422: {  	[tilespmem:s31], [sflag:$0x2] =	stream.indirect_vreg.gather [hbm4b:s2+s4], $0x80, v3, vm0, $0xb8;
	[tilespmem:$0x10400] =	vst v63  }
0x423: {  	s28 =	simm.s32 $0xBC00  }
0x424: {  	[tilespmem:s28], [sflag:$0x2] =	stream.indirect_vreg.gather [hbm4b:s6+s4], $0x80, v3, vm0, $0xb8;
	[tilespmem:$0x10400] =	vst v63  }
0x425: {  	v3 =	vld [tilespmem:$0x3A0];
	_ =	sdelay $0x4  }
0x426: {  	v62 =	vshll.u32 v3, $0x2  }
0x427: {  	v3 =	vand.u32 $0x7, v3;
	v4 =	vand.u32 $0xFFFFFFE0, v62  }
0x428: {  	v3 =	vor.u32 v3, v4  }
0x429: {  	v4 =	vperm.xlane v3, v0;
	_ =	sdelay $0x1  }
0x42a: {  	v4 =	vadd.s32 v1, v4;
	_ =	sdelay $0x1  }
0x42b: {  	v3 =	vperm.xlane v3, v2;
	_ =	sdelay $0x1  }
0x42c: {  	s10 =	simm.s32 $0xC400;
	v3 =	vadd.s32 v1, v3  }
0x42d: {  	[tilespmem:s10], [sflag:$0x2] =	stream.indirect_vreg.gather [hbm4b:s2+s4], $0x80, v4, vm0, $0xb8;
	[tilespmem:$0x10400] =	vst v63  }
0x42e: {  	s11 =	simm.s32 $0xCC00  }
0x42f: {  	[tilespmem:s11], [sflag:$0x2] =	stream.indirect_vreg.gather [hbm4b:s6+s4], $0x80, v4, vm0, $0xb8;
	[tilespmem:$0x10400] =	vst v63  }
0x430: {  	s12 =	simm.s32 $0xD400  }
0x431: {  	[tilespmem:s12], [sflag:$0x2] =	stream.indirect_vreg.gather [hbm4b:s2+s4], $0x80, v3, vm0, $0xb8;
	[tilespmem:$0x10400] =	vst v63  }
0x432: {  	s29 =	simm.s32 $0xDC00  }
0x433: {  	[tilespmem:s29], [sflag:$0x2] =	stream.indirect_vreg.gather [hbm4b:s6+s4], $0x80, v3, vm0, $0xb8;
	[tilespmem:$0x10400] =	vst v63  }
0x434: {  	v3 =	vld [tilespmem:$0x3B0];
	_ =	sdelay $0x4  }
0x435: {  	v63 =	vshll.u32 v3, $0x2  }
0x436: {  	v3 =	vand.u32 $0x7, v3;
	v4 =	vand.u32 $0xFFFFFFE0, v63  }
0x437: {  	v3 =	vor.u32 v3, v4  }
0x438: {  	v4 =	vperm.xlane v3, v0;
	_ =	sdelay $0x1  }
0x439: {  	v4 =	vadd.s32 v1, v4;
	_ =	sdelay $0x1  }
0x43a: {  	v3 =	vperm.xlane v3, v2;
	_ =	sdelay $0x1  }
0x43b: {  	s13 =	simm.s32 $0xE400;
	v3 =	vadd.s32 v1, v3  }
0x43c: {  	[tilespmem:s13], [sflag:$0x2] =	stream.indirect_vreg.gather [hbm4b:s2+s4], $0x80, v4, vm0, $0xb8;
	[tilespmem:$0x10400] =	vst v63  }
0x43d: {  	s14 =	simm.s32 $0xEC00  }
0x43e: {  	[tilespmem:s14], [sflag:$0x2] =	stream.indirect_vreg.gather [hbm4b:s6+s4], $0x80, v4, vm0, $0xb8;
	[tilespmem:$0x10400] =	vst v63  }
0x43f: {  	s24 =	simm.s32 $0xF400  }
0x440: {  	[tilespmem:s24], [sflag:$0x2] =	stream.indirect_vreg.gather [hbm4b:s2+s4], $0x80, v3, vm0, $0xb8;
	[tilespmem:$0x10400] =	vst v63  }
0x441: {  	s26 =	simm.s32 $0xFC00  }
0x442: {  	[tilespmem:s26], [sflag:$0x2] =	stream.indirect_vreg.gather [hbm4b:s6+s4], $0x80, v3, vm0, $0xb8;
	[tilespmem:$0x10400] =	vst v63  }
0x443: {  	s23 =	rddreg [dreg:$0x16];
	_ =	swait.ge [sflag:s18], $0x8000  }
0x444: {  	[sflag:s18] =	ssyncset.done $0x0  }
0x445: {  	s30 =	rddreg [dreg:$0x14];
	[sflag:s18] =	ssyncadd.s32 $0xFFFF8000  }
0x446: {  	[hbm4b:s30+s4] =	stream.linear.scatter [tilespmem:s3], [sflag:$0x3], $0x8000, $0x38;
	[tilespmem:$0x10400] =	vst v63  }
0x447: {  	_ =	swait.ge [sflag:s8], $0x8000  }
0x448: {  	[sflag:s8] =	ssyncset.done $0x0  }
0x449: {  	[sflag:s8] =	ssyncadd.s32 $0xFFFF8000  }
0x44a: {  	_ =	swait.ge [sflag:s19], $0x8000  }
0x44b: {  	p0 =	sne.s32 s23, $0x1;
	[sflag:s19] =	ssyncset.done $0x0  }
.Ltmp0:
0x44c: {  	s31 =	rddreg [dreg:$0x15];
	[sflag:s19] =	ssyncadd.s32 $0xFFFF8000;
	(pc) =	sbr.rel @p0 .LBB2_1-.Ltmp0, $4  }
0x44d: {  	[hbm4b:s31+s4] =	stream.linear.scatter [tilespmem:s25], [sflag:$0x3], $0x8000, $0x38;
	[tilespmem:$0x10400] =	vst v63  }
0x44e: {  	_ =	swait.ge [sflag:s8], $0x8000  }
0x44f: {  	[sflag:s8] =	ssyncset.done $0x0  }
0x450: {  	s0 =	sadd.s32 $0xFFFFFFFF, s23;
	[sflag:s8] =	ssyncadd.s32 $0xFFFF8000  }
0x451: {  	_ =	sfence.sel $0x180000  }
0x452: {  	[bflag:$0x0] =	sbarrier.arrive $0xFFFF  }
0x453: {  	_ =	strace $0x90000047  }
0x454: {  	s0 =	stileid.u32;
	[bflag:$0x2] =	sbarrier.arrive $0xFFFF  }
0x455: {  	p0 =	sne.s32 s0, $0x0;
	s0 =	rddreg [dreg:$0x4]  }
0x456: {  	s0 =	sadd.s32 @!p0 $0x100000, s0  }
0x457: {  	[sflag:s0] =	ssyncadd.tile.s32 @!p0 $0x1;
	_ =	shalt  }
.Lfunc_end2:
_tile_overlayer_lowered:
.L_overlay_start_2:
0x458: {  	(tag) =	ssettag $0x2  }
0x459: {  	s0 =	rddreg [dreg:$0x0];
	s2 =	stileid.u32  }
0x45a: {  	s1 =	rddreg [dreg:$0x1];
	p0 =	sne.s32 s2, $0x0  }
0x45b: {  	s3 =	rddreg [dreg:$0x2];
	[bflag:$0x3] =	sbarrier.arrive $0xFFFF;
	s2 =	simm.s32 @!p0 $0x1C03  }
0x45c: {  	[timem:s3], [sflag:s2] =	dma.local @!p0 [hbm:s0], s1  }
0x45d: {  	s0 =	simm.s32 @!p0 $0x3  }
0x45e: {  	_ =	swait.ge @!p0 [sflag:s0], s1  }
0x45f: {  	s1 =	ssub.s32 @!p0 $0x0, s1;
	[sflag:s0] =	ssyncset.done @!p0 $0x0  }
0x460: {  	[sflag:s0] =	ssyncadd.s32 @!p0 s1  }
0x461: {  	[bflag:$0x3] =	sbarrier.arrive $0xFFFF  }
0x462: {  	_ =	shalt  }

</sc_bundles>
